<compile_context>
chip_gen: v7x
topology: tpu7x:2x2x1
jax: 0.10.2.dev20260603
libtpu: 0.0.44.dev20260713+nightly
codegen_flags: <defaults>
</compile_context>

<pallas_src>
import functools

import jax
import jax.numpy as jnp
import numpy as np
from jax import lax
from jax.experimental import pallas as pl
from jax.experimental.pallas import tpu as pltpu
from jax.experimental.pallas import tpu_sc as plsc

B, S, D, H = 1, 2048, 768, 12
HD = D // H
E, K, FF, NF = 8, 2, 4 * 768, 64
EP = 128
BT = 256
NI = S // BT
NP = S * K
BM = 128
P = NP + E * BM
NB = P // BM
RB = 512
PB = P // RB
NC, NS, L = 2, 16, 16
NW = NC * NS
PW = P // NW
TW = S // NW
DV = D // 2
_F32 = jnp.float32
_I32 = jnp.int32
_BF16 = jnp.bfloat16
_HI = lax.Precision.HIGHEST



def _rotate_half(t):
    t1, t2 = jnp.split(t, 2, axis=-1)
    return jnp.concatenate([-t2, t1], axis=-1)


def _ada_ln(x, fp, Wm, bm):
    mod = fp @ Wm + bm
    scale, shift = jnp.split(mod, 2, axis=-1)
    mu = x.mean(-1, keepdims=True)
    var = x.var(-1, keepdims=True)
    xn = (x - mu) / jnp.sqrt(var + 1e-6)
    return xn * (1.0 + scale[:, None, :]) + shift[:, None, :]


def _attention(x, freqs, Wq, Wk, Wv, Wo):
    q = (x @ Wq).reshape(B, S, H, HD)
    k = (x @ Wk).reshape(B, S, H, HD)
    v = (x @ Wv).reshape(B, S, H, HD)
    cos = jnp.concatenate([jnp.cos(freqs), jnp.cos(freqs)], axis=-1)[None, :, None, :]
    sin = jnp.concatenate([jnp.sin(freqs), jnp.sin(freqs)], axis=-1)[None, :, None, :]
    q = q * cos + _rotate_half(q) * sin
    k = k * cos + _rotate_half(k) * sin
    q = q.transpose(0, 2, 1, 3)
    k = k.transpose(0, 2, 1, 3)
    v = v.transpose(0, 2, 1, 3)
    att = jax.nn.softmax(jnp.einsum('bhqd,bhkd->bhqk', q, k) / np.sqrt(HD), axis=-1)
    o = jnp.einsum('bhqk,bhkd->bhqd', att, v)
    o = o.transpose(0, 2, 1, 3).reshape(B, S, D)
    return o @ Wo



def _route_rank_kernel(logits_ref, biasp_ref, gates_ref, idx_ref,
                       destrel_ref, counts_ref, base_ref):
    i = pl.program_id(0)

    @pl.when(i == 0)
    def _():
        base_ref[...] = jnp.zeros((1, EP), _F32)

    logits = logits_ref[...]
    sel = logits + biasp_ref[...]
    eidx = lax.broadcasted_iota(_I32, (BT, EP), 1)
    big = jnp.int32(2 ** 30)
    m1 = jnp.max(sel, axis=-1, keepdims=True)
    i1 = jnp.min(jnp.where(sel == m1, eidx, big), axis=-1, keepdims=True)
    eq1 = eidx == i1
    l1 = jnp.sum(jnp.where(eq1, logits, 0.0), axis=-1, keepdims=True)
    sel2 = jnp.where(eq1, -jnp.inf, sel)
    m2 = jnp.max(sel2, axis=-1, keepdims=True)
    i2 = jnp.min(jnp.where(sel2 == m2, eidx, big), axis=-1, keepdims=True)
    eq2 = eidx == i2
    l2 = jnp.sum(jnp.where(eq2, logits, 0.0), axis=-1, keepdims=True)
    mx = jnp.maximum(l1, l2)
    e1 = jnp.exp(l1 - mx)
    e2 = jnp.exp(l2 - mx)
    den = e1 + e2
    gates_ref[...] = jnp.where(eidx == 0, e1 / den,
                               jnp.where(eidx == 1, e2 / den, 0.0))
    idx_ref[...] = jnp.where(eidx == 0, i1, jnp.where(eidx == 1, i2, 0))

    oh = (eq1 | eq2).astype(_F32)
    ra = lax.broadcasted_iota(_I32, (BT, BT), 0)
    ca = lax.broadcasted_iota(_I32, (BT, BT), 1)
    tri = (ca < ra).astype(_F32)
    cex = jnp.dot(tri, oh, preferred_element_type=_F32) + base_ref[...]
    r0 = jnp.sum(jnp.where(eq1, cex, 0.0), axis=-1, keepdims=True)
    r1 = jnp.sum(jnp.where(eq2, cex, 0.0), axis=-1, keepdims=True)
    destrel_ref[...] = jnp.where(
        eidx == 0, r0.astype(_I32), jnp.where(eidx == 1, r1.astype(_I32), 0))
    base_ref[...] = base_ref[...] + jnp.sum(oh, axis=0, keepdims=True)

    @pl.when(i == NI - 1)
    def _():
        counts_ref[...] = base_ref[...].astype(_I32)



def _dispatch2_kernel(counts_ref, idxp_ref, destrel_ref, destp_ref, gid_ref):
    counts = counts_ref[...]
    m = ((counts + (BM - 1)) >> 7).astype(_F32)
    ja = lax.broadcasted_iota(_I32, (EP, EP), 0)
    ea = lax.broadcasted_iota(_I32, (EP, EP), 1)
    triu = (ja < ea).astype(_F32)
    seg_row = jnp.dot(m, triu, preferred_element_type=_F32) * float(BM)
    eidx = lax.broadcasted_iota(_I32, (BT, EP), 1)
    idxv = idxp_ref[...]
    i0 = jnp.sum(jnp.where(eidx == 0, idxv, 0), axis=-1, keepdims=True)
    i1 = jnp.sum(jnp.where(eidx == 1, idxv, 0), axis=-1, keepdims=True)
    relv = destrel_ref[...]
    r0 = jnp.sum(jnp.where(eidx == 0, relv, 0), axis=-1, keepdims=True)
    r1 = jnp.sum(jnp.where(eidx == 1, relv, 0), axis=-1, keepdims=True)
    s0 = jnp.sum(jnp.where(eidx == i0, seg_row, 0.0), axis=-1, keepdims=True)
    s1 = jnp.sum(jnp.where(eidx == i1, seg_row, 0.0), axis=-1, keepdims=True)
    dest0 = s0.astype(_I32) + r0
    dest1 = s1.astype(_I32) + r1
    destp_ref[...] = jnp.where(eidx == 0, dest0,
                               jnp.where(eidx == 1, dest1, 0))
    eidx1 = lax.broadcasted_iota(_I32, (1, EP), 1)
    jv = (eidx1 * BM).astype(_F32)
    acc = jnp.zeros((1, EP), _I32)
    for e in range(E):
        seg_e = jnp.sum(jnp.where(eidx1 == e, seg_row, 0.0), axis=-1,
                        keepdims=True)
        acc = acc + (jv >= seg_e).astype(_I32)
    gid_ref[...] = jnp.clip(acc - 1, 0, E - 1)



def _srcbuild_kernel(destf_ref, src_ref):
    i = pl.program_id(0)
    r0 = i * RB
    acc = jnp.zeros((1, RB), _I32)
    for c in range(NP // RB):
        dc = destf_ref[pl.ds(c * RB, RB), :]
        jv = lax.broadcasted_iota(_I32, (RB, RB), 1) + r0
        tokcol = (lax.broadcasted_iota(_I32, (RB, 1), 0) + c * RB) >> 1
        acc = acc + jnp.sum(jnp.where(dc == jv, tokcol, 0), axis=0,
                            keepdims=True)
    src_ref[0] = acc



def _sc_gather_rows_body(src_hbm, h2_hbm, xg_hbm, idx_v, rows_v,
                         sem0, sem1, sem2, sem3):
    wid = lax.axis_index("s") * NC + lax.axis_index("c")
    base = wid * PW
    pltpu.sync_copy(src_hbm.at[pl.ds(base, PW)], idx_v)
    qtr = PW // 2
    sems = (sem0, sem1)
    gs = []
    for b in range(2):
        gs.append(pltpu.async_copy(
            h2_hbm.at[idx_v.at[pl.ds(b * qtr, qtr)]],
            rows_v.at[pl.ds(b * qtr, qtr), :], sems[b]))
    ws = []
    for b in range(2):
        gs[b].wait()
        ws.append(pltpu.async_copy(
            rows_v.at[pl.ds(b * qtr, qtr), :],
            xg_hbm.at[pl.ds(base + b * qtr, qtr)], sems[b]))
    for w in ws:
        w.wait()


def _sc_gather_pair_body(d0_hbm, d1_hbm, y_hbm, y0_hbm, y1_hbm,
                         i0_v, i1_v, r0_v, r1_v, sem0, sem1):
    wid = lax.axis_index("s") * NC + lax.axis_index("c")
    base = wid * TW
    pltpu.sync_copy(d0_hbm.at[pl.ds(base, TW)], i0_v)
    pltpu.sync_copy(d1_hbm.at[pl.ds(base, TW)], i1_v)
    g0 = pltpu.async_copy(y_hbm.at[i0_v], r0_v, sem0)
    g1 = pltpu.async_copy(y_hbm.at[i1_v], r1_v, sem1)
    g0.wait()
    w0 = pltpu.async_copy(r0_v, y0_hbm.at[pl.ds(base, TW)], sem0)
    g1.wait()
    w1 = pltpu.async_copy(r1_v, y1_hbm.at[pl.ds(base, TW)], sem1)
    w0.wait()
    w1.wait()


_SC_KERNELS = {}


def _get_sc_kernels():
    if not _SC_KERNELS:
        mesh = plsc.VectorSubcoreMesh(core_axis_name="c", subcore_axis_name="s")
        _SC_KERNELS['gather_rows'] = pl.kernel(
            _sc_gather_rows_body, mesh=mesh,
            out_type=jax.ShapeDtypeStruct((P, D), _F32),
            scratch_types=[
                pltpu.VMEM((PW,), _I32),
                pltpu.VMEM((PW, D), _F32),
                pltpu.SemaphoreType.DMA,
                pltpu.SemaphoreType.DMA,
                pltpu.SemaphoreType.DMA,
                pltpu.SemaphoreType.DMA,
            ])
        _SC_KERNELS['gather_pair'] = pl.kernel(
            _sc_gather_pair_body, mesh=mesh,
            out_type=[
                jax.ShapeDtypeStruct((S, D), _F32),
                jax.ShapeDtypeStruct((S, D), _F32),
            ],
            scratch_types=[
                pltpu.VMEM((TW,), _I32),
                pltpu.VMEM((TW,), _I32),
                pltpu.VMEM((TW, D), _F32),
                pltpu.VMEM((TW, D), _F32),
                pltpu.SemaphoreType.DMA,
                pltpu.SemaphoreType.DMA,
            ])
    return _SC_KERNELS


def _sc_gather_rows(src, h2f):
    return _get_sc_kernels()['gather_rows'](src, h2f)


def _sc_gather_pair(d0, d1, y):
    return _get_sc_kernels()['gather_pair'](d0, d1, y)



def _ffn_kernel(gid_ref, xg_ref, w1_ref, b1_ref, w2_ref, b2_ref, y_ref):
    xb = xg_ref[...].astype(_BF16)
    h = jnp.dot(xb, w1_ref[0], preferred_element_type=_F32) + b1_ref[0]
    h = jax.nn.gelu(h).astype(_BF16)
    y_ref[...] = jnp.dot(h, w2_ref[0], preferred_element_type=_F32) + b2_ref[0]



def _combine_kernel(x2_ref, gates_ref, y0_ref, y1_ref, out_ref):
    gates = gates_ref[...]
    eidx = lax.broadcasted_iota(_I32, (BT, EP), 1)
    g0 = jnp.sum(jnp.where(eidx == 0, gates, 0.0), axis=-1, keepdims=True)
    g1 = jnp.sum(jnp.where(eidx == 1, gates, 0.0), axis=-1, keepdims=True)
    out_ref[...] = x2_ref[...] + g0 * y0_ref[...] + g1 * y1_ref[...]


def kernel(x, freqs, fluid_params, Wm1, bm1, Wm2, bm2, Wq, Wk, Wv, Wo, Wr,
           expert_bias, W1, b1, W2, b2):
    h1 = _ada_ln(x, fluid_params, Wm1, bm1)
    x2 = x + _attention(h1, freqs, Wq, Wk, Wv, Wo)
    h2 = _ada_ln(x2, fluid_params, Wm2, bm2)
    h2f = h2.reshape(S, D)
    logits = h2f @ Wr

    logits_p = jnp.zeros((S, EP), _F32).at[:, :E].set(logits)
    bias_pad = jnp.full((1, EP), -1e30, _F32).at[0, :E].set(expert_bias)
    full = lambda *shape: pl.BlockSpec(shape, lambda *_: tuple(0 for _ in shape))

    gates_p, idx_p, destrel_p, counts = pl.pallas_call(
        _route_rank_kernel,
        grid=(NI,),
        in_specs=[pl.BlockSpec((BT, EP), lambda i: (i, 0)), full(1, EP)],
        out_specs=[
            pl.BlockSpec((BT, EP), lambda i: (i, 0)),
            pl.BlockSpec((BT, EP), lambda i: (i, 0)),
            pl.BlockSpec((BT, EP), lambda i: (i, 0)),
            pl.BlockSpec((1, EP), lambda i: (0, 0)),
        ],
        out_shape=[
            jax.ShapeDtypeStruct((S, EP), _F32),
            jax.ShapeDtypeStruct((S, EP), _I32),
            jax.ShapeDtypeStruct((S, EP), _I32),
            jax.ShapeDtypeStruct((1, EP), _I32),
        ],
        scratch_shapes=[pltpu.VMEM((1, EP), _F32)],
        compiler_params=pltpu.CompilerParams(
            dimension_semantics=("arbitrary",)),
    )(logits_p, bias_pad)

    destp, gid_row = pl.pallas_call(
        _dispatch2_kernel,
        grid=(NI,),
        in_specs=[
            full(1, EP),
            pl.BlockSpec((BT, EP), lambda i: (i, 0)),
            pl.BlockSpec((BT, EP), lambda i: (i, 0)),
        ],
        out_specs=[
            pl.BlockSpec((BT, EP), lambda i: (i, 0)),
            pl.BlockSpec((1, EP), lambda i: (0, 0)),
        ],
        out_shape=[
            jax.ShapeDtypeStruct((S, EP), _I32),
            jax.ShapeDtypeStruct((1, EP), _I32),
        ],
        compiler_params=pltpu.CompilerParams(
            dimension_semantics=("arbitrary",)),
    )(counts, idx_p, destrel_p)

    destf = destp[:, :K].reshape(NP, 1)
    src2d = pl.pallas_call(
        _srcbuild_kernel,
        grid=(PB,),
        in_specs=[full(NP, 1)],
        out_specs=pl.BlockSpec((1, 1, RB), lambda i: (i, 0, 0)),
        out_shape=jax.ShapeDtypeStruct((PB, 1, RB), _I32),
        compiler_params=pltpu.CompilerParams(
            dimension_semantics=("parallel",)),
    )(destf)

    src = src2d.reshape(P)
    gid = gid_row.reshape(EP)[:NB]

    xg = _sc_gather_rows(src, h2f)
    w1b = W1.astype(_BF16)
    w2b = W2.astype(_BF16)

    grid_spec = pltpu.PrefetchScalarGridSpec(
        num_scalar_prefetch=1,
        grid=(NB,),
        in_specs=[
            pl.BlockSpec((BM, D), lambda i, gid_ref: (i, 0)),
            pl.BlockSpec((1, D, FF), lambda i, gid_ref: (gid_ref[i], 0, 0)),
            pl.BlockSpec((1, 1, FF), lambda i, gid_ref: (gid_ref[i], 0, 0)),
            pl.BlockSpec((1, FF, D), lambda i, gid_ref: (gid_ref[i], 0, 0)),
            pl.BlockSpec((1, 1, D), lambda i, gid_ref: (gid_ref[i], 0, 0)),
        ],
        out_specs=pl.BlockSpec((BM, D), lambda i, gid_ref: (i, 0)),
    )
    y = pl.pallas_call(
        _ffn_kernel,
        grid_spec=grid_spec,
        out_shape=jax.ShapeDtypeStruct((P, D), _F32),
        compiler_params=pltpu.CompilerParams(
            dimension_semantics=("arbitrary",)),
    )(gid, xg, w1b, b1.reshape(E, 1, FF), w2b, b2.reshape(E, 1, D))

    dpair = destp[:, :K]
    y0g, y1g = _sc_gather_pair(dpair[:, 0], dpair[:, 1], y)

    out = pl.pallas_call(
        _combine_kernel,
        grid=(NI,),
        in_specs=[
            pl.BlockSpec((BT, D), lambda i: (i, 0)),
            pl.BlockSpec((BT, EP), lambda i: (i, 0)),
            pl.BlockSpec((BT, D), lambda i: (i, 0)),
            pl.BlockSpec((BT, D), lambda i: (i, 0)),
        ],
        out_specs=pl.BlockSpec((BT, D), lambda i: (i, 0)),
        out_shape=jax.ShapeDtypeStruct((S, D), _F32),
        compiler_params=pltpu.CompilerParams(
            dimension_semantics=("parallel",)),
    )(x2.reshape(S, D), gates_p, y0g, y1g)

    return (out.reshape(B, S, D), logits, idx_p[:, :K])

# --- scband reference (transcript-rebuilt; emitter-appended) ---
"""Pipeline reference for scband-transformer-mo-eblock-6622839571051 (READ-ONLY COPY).

The authoritative reference and input builder live on the scoring server;
editing this copy changes nothing except your own understanding.
"""

import jax, jax.numpy as jnp
import numpy as np

B, S, D, H = 1, 2048, 768, 12
HD = D // H
E, K, FF, NF = 8, 2, 4 * 768, 64


def setup_inputs(seed: int = 0) -> dict:
    key = jax.random.key(seed)
    ks = jax.random.split(key, 24)
    s = 0.02
    x = jax.random.normal(ks[0], (B, S, D), jnp.float32)
    # RoPE angles: positions x inv_freq (spec fill=rand is a placeholder; realistic freqs used here)
    pos = jnp.arange(S, dtype=jnp.float32)
    inv = 1.0 / (10000.0 ** (jnp.arange(0, HD // 2, dtype=jnp.float32) / (HD // 2)))
    freqs = pos[:, None] * inv[None, :]
    fluid_params = jax.random.normal(ks[1], (B, NF), jnp.float32)
    return {
        'x': x,
        'freqs': freqs,
        'fluid_params': fluid_params,
        'Wm1': jax.random.normal(ks[2], (NF, 2 * D), jnp.float32) * s,
        'bm1': jnp.zeros((2 * D,), jnp.float32),
        'Wm2': jax.random.normal(ks[3], (NF, 2 * D), jnp.float32) * s,
        'bm2': jnp.zeros((2 * D,), jnp.float32),
        'Wq': jax.random.normal(ks[4], (D, D), jnp.float32) * s,
        'Wk': jax.random.normal(ks[5], (D, D), jnp.float32) * s,
        'Wv': jax.random.normal(ks[6], (D, D), jnp.float32) * s,
        'Wo': jax.random.normal(ks[7], (D, D), jnp.float32) * s,
        'Wr': jax.random.normal(ks[8], (D, E), jnp.float32) * s,
        'expert_bias': jax.random.normal(ks[9], (E,), jnp.float32) * 0.01,
        'W1': jax.random.normal(ks[10], (E, D, FF), jnp.float32) * s,
        'b1': jnp.zeros((E, FF), jnp.float32),
        'W2': jax.random.normal(ks[11], (E, FF, D), jnp.float32) * s,
        'b2': jnp.zeros((E, D), jnp.float32),
    }


def _rotate_half(t):
    t1, t2 = jnp.split(t, 2, axis=-1)
    return jnp.concatenate([-t2, t1], axis=-1)


def _ada_ln(x, fp, Wm, bm):
    mod = fp @ Wm + bm
    scale, shift = jnp.split(mod, 2, axis=-1)
    mu = x.mean(-1, keepdims=True)
    var = x.var(-1, keepdims=True)
    xn = (x - mu) / jnp.sqrt(var + 1e-6)
    return xn * (1.0 + scale[:, None, :]) + shift[:, None, :]


def _attention(x, freqs, Wq, Wk, Wv, Wo):
    q = (x @ Wq).reshape(B, S, H, HD)
    k = (x @ Wk).reshape(B, S, H, HD)
    v = (x @ Wv).reshape(B, S, H, HD)
    cos = jnp.concatenate([jnp.cos(freqs), jnp.cos(freqs)], axis=-1)[None, :, None, :]
    sin = jnp.concatenate([jnp.sin(freqs), jnp.sin(freqs)], axis=-1)[None, :, None, :]
    q = q * cos + _rotate_half(q) * sin
    k = k * cos + _rotate_half(k) * sin
    q = q.transpose(0, 2, 1, 3)
    k = k.transpose(0, 2, 1, 3)
    v = v.transpose(0, 2, 1, 3)
    att = jax.nn.softmax(jnp.einsum('bhqd,bhkd->bhqk', q, k) / np.sqrt(HD), axis=-1)
    o = jnp.einsum('bhqk,bhkd->bhqd', att, v)
    o = o.transpose(0, 2, 1, 3).reshape(B, S, D)
    return o @ Wo


def _moe(xf, Wr, expert_bias, W1, b1, W2, b2):
    logits = xf @ Wr  # [T, E]
    sel = logits + expert_bias[None, :]  # bias used for selection only (aux-loss-free)
    _, idx = jax.lax.top_k(sel, K)
    gl = jnp.take_along_axis(logits, idx, axis=-1)
    gates = jax.nn.softmax(gl, axis=-1)  # softmax_first=False: topk then softmax
    T = xf.shape[0]
    combine = jnp.zeros((T, E), xf.dtype).at[jnp.arange(T)[:, None], idx].set(gates)
    h = jax.nn.gelu(jnp.einsum('td,edf->etf', xf, W1) + b1[:, None, :])
    y = jnp.einsum('etf,efd->etd', h, W2) + b2[:, None, :]
    out = jnp.einsum('etd,te->td', y, combine)
    return out, logits, idx


def reference(x, freqs, fluid_params, Wm1, bm1, Wm2, bm2, Wq, Wk, Wv, Wo, Wr, expert_bias, W1, b1, W2, b2):
    h = _ada_ln(x, fluid_params, Wm1, bm1)
    x = x + _attention(h, freqs, Wq, Wk, Wv, Wo)
    h2 = _ada_ln(x, fluid_params, Wm2, bm2)
    moe_out, router_logits, topk_idx = _moe(h2.reshape(-1, D), Wr, expert_bias, W1, b1, W2, b2)
    x = x + moe_out.reshape(B, S, D)
    return (x, router_logits, topk_idx)

if __name__ == "__main__":
    import jax
    _d = setup_inputs()
    print(jax.jit(kernel)(*tuple(_d.values())))

</pallas_src>

<mosaic_0001>
#map = affine_map<(d0, d1) -> (0)>
#map1 = affine_map<(d0, d1) -> (0, 0)>
module attributes {stable_mosaic.version = 14 : i64} {
  func.func @_sc_gather_rows_body(%arg0: i32, %arg1: i32, %arg2: memref<5120xi32, #tpu.memory_space<hbm>>, %arg3: memref<2048x768xf32, #tpu.memory_space<hbm>>, %arg4: memref<5120x768xf32, #tpu.memory_space<hbm>>, %arg5: memref<160xi32, #tpu.memory_space<vmem>>, %arg6: memref<160x768xf32, #tpu.memory_space<vmem>>, %arg7: memref<!tpu.dma_semaphore, #tpu.memory_space<semaphore_mem>>, %arg8: memref<!tpu.dma_semaphore, #tpu.memory_space<semaphore_mem>>, %arg9: memref<!tpu.dma_semaphore, #tpu.memory_space<semaphore_mem>>, %arg10: memref<!tpu.dma_semaphore, #tpu.memory_space<semaphore_mem>>) attributes {dimension_semantics = [#tpu.dimension_semantics<core_parallel>, #tpu.dimension_semantics<subcore_parallel>], iteration_bounds = array<i64: 2, 16>, scalar_prefetch = 0 : i64, scratch_operands = 6 : i64, tpu.core_type = #tpu.core_type<sc_vector_subcore>, window_params = [{transform_indices = #map}, {transform_indices = #map1}, {transform_indices = #map1}]} {
    %mul3A = arith.constant 2 : i32
    %mul3A_0 = arith.muli %arg1, %mul3A : i32
    %add3A = arith.addi %mul3A_0, %arg0 : i32
    %mul3A_1 = arith.constant 160 : i32
    %mul3A_2 = arith.muli %add3A, %mul3A_1 : i32
    "tpu.region"() ({
      %run_scoped3A = tpu.sem_alloc : memref<!tpu.dma_semaphore, #tpu.memory_space<semaphore_mem>>
      %dma_start3A_77 = tpu.memref_slice %arg2[%mul3A_2] : memref<5120xi32, #tpu.memory_space<hbm>> -> memref<160xi32, #tpu.memory_space<hbm>>
      %dma_start3A_78 = tpu.memref_slice %arg2[%mul3A_2] : memref<5120xi32, #tpu.memory_space<hbm>> -> memref<160xi32, #tpu.memory_space<hbm>>
      tpu.enqueue_dma source(%dma_start3A_78 : memref<160xi32, #tpu.memory_space<hbm>>) target(%arg5 : memref<160xi32, #tpu.memory_space<vmem>>) target_semaphore(%run_scoped3A : memref<!tpu.dma_semaphore, #tpu.memory_space<semaphore_mem>>)
      %dma_wait3A_79 = tpu.memref_slice %arg2[%mul3A_2] : memref<5120xi32, #tpu.memory_space<hbm>> -> memref<160xi32, #tpu.memory_space<hbm>>
      %dma_wait3A_80 = tpu.memref_slice %arg2[%mul3A_2] : memref<5120xi32, #tpu.memory_space<hbm>> -> memref<160xi32, #tpu.memory_space<hbm>>
      tpu.wait_dma2 semaphore(%run_scoped3A : memref<!tpu.dma_semaphore, #tpu.memory_space<semaphore_mem>>) src(%dma_wait3A_80 : memref<160xi32, #tpu.memory_space<hbm>>) dst(%arg5 : memref<160xi32, #tpu.memory_space<vmem>>)
      tpu.yield
    }) : () -> ()
    %dma_start3A = arith.constant 0 : i32
    %dma_start3A_3 = arith.constant 0 : i32
    %dma_start3A_4 = tpu.memref_slice %arg6[%dma_start3A, %dma_start3A_3] : memref<160x768xf32, #tpu.memory_space<vmem>> -> memref<80x768xf32, #tpu.memory_space<vmem>>
    %dma_start3A_5 = arith.constant 0 : i32
    %dma_start3A_6 = tpu.memref_slice %arg5[%dma_start3A_5] : memref<160xi32, #tpu.memory_space<vmem>> -> memref<80xi32, #tpu.memory_space<vmem>>
    %dma_start3A_7 = arith.constant 0 : i32
    %dma_start3A_8 = arith.constant 0 : i32
    %dma_start3A_9 = tpu.memref_slice %arg3[%dma_start3A_7, %dma_start3A_8] : memref<2048x768xf32, #tpu.memory_space<hbm>> -> memref<2048x768xf32, #tpu.memory_space<hbm>>
    tpu.enqueue_indirect_dma source(%dma_start3A_9 : memref<2048x768xf32, #tpu.memory_space<hbm>>) target(%dma_start3A_4 : memref<80x768xf32, #tpu.memory_space<vmem>>) offsets(%dma_start3A_6 : memref<80xi32, #tpu.memory_space<vmem>>) semaphore(%arg7 : memref<!tpu.dma_semaphore, #tpu.memory_space<semaphore_mem>>)
    %dma_start3A_10 = arith.constant 80 : i32
    %dma_start3A_11 = arith.constant 0 : i32
    %dma_start3A_12 = tpu.memref_slice %arg6[%dma_start3A_10, %dma_start3A_11] : memref<160x768xf32, #tpu.memory_space<vmem>> -> memref<80x768xf32, #tpu.memory_space<vmem>>
    %dma_start3A_13 = arith.constant 80 : i32
    %dma_start3A_14 = tpu.memref_slice %arg5[%dma_start3A_13] : memref<160xi32, #tpu.memory_space<vmem>> -> memref<80xi32, #tpu.memory_space<vmem>>
    %dma_start3A_15 = arith.constant 0 : i32
    %dma_start3A_16 = arith.constant 0 : i32
    %dma_start3A_17 = tpu.memref_slice %arg3[%dma_start3A_15, %dma_start3A_16] : memref<2048x768xf32, #tpu.memory_space<hbm>> -> memref<2048x768xf32, #tpu.memory_space<hbm>>
    tpu.enqueue_indirect_dma source(%dma_start3A_17 : memref<2048x768xf32, #tpu.memory_space<hbm>>) target(%dma_start3A_12 : memref<80x768xf32, #tpu.memory_space<vmem>>) offsets(%dma_start3A_14 : memref<80xi32, #tpu.memory_space<vmem>>) semaphore(%arg8 : memref<!tpu.dma_semaphore, #tpu.memory_space<semaphore_mem>>)
    %dma_wait3A = arith.constant 0 : i32
    %dma_wait3A_18 = arith.constant 0 : i32
    %dma_wait3A_19 = tpu.memref_slice %arg6[%dma_wait3A, %dma_wait3A_18] : memref<160x768xf32, #tpu.memory_space<vmem>> -> memref<80x768xf32, #tpu.memory_space<vmem>>
    %dma_wait3A_20 = arith.constant 0 : i32
    %dma_wait3A_21 = tpu.memref_slice %arg5[%dma_wait3A_20] : memref<160xi32, #tpu.memory_space<vmem>> -> memref<80xi32, #tpu.memory_space<vmem>>
    %dma_wait3A_22 = arith.constant 0 : i32
    %dma_wait3A_23 = arith.constant 0 : i32
    %dma_wait3A_24 = tpu.memref_slice %arg3[%dma_wait3A_22, %dma_wait3A_23] : memref<2048x768xf32, #tpu.memory_space<hbm>> -> memref<2048x768xf32, #tpu.memory_space<hbm>>
    tpu.wait_indirect_dma semaphore(%arg7 : memref<!tpu.dma_semaphore, #tpu.memory_space<semaphore_mem>>) src(%dma_wait3A_24 : memref<2048x768xf32, #tpu.memory_space<hbm>>) dst(%dma_wait3A_19 : memref<80x768xf32, #tpu.memory_space<vmem>>)
    %add3A_25 = arith.constant 0 : i32
    %add3A_26 = arith.addi %mul3A_2, %add3A_25 : i32
    %dma_start3A_27 = arith.constant 0 : i32
    %dma_start3A_28 = arith.constant 0 : i32
    %dma_start3A_29 = tpu.memref_slice %arg6[%dma_start3A_27, %dma_start3A_28] : memref<160x768xf32, #tpu.memory_space<vmem>> -> memref<80x768xf32, #tpu.memory_space<vmem>>
    %dma_start3A_30 = arith.constant 0 : i32
    %dma_start3A_31 = tpu.memref_slice %arg4[%add3A_26, %dma_start3A_30] : memref<5120x768xf32, #tpu.memory_space<hbm>> -> memref<80x768xf32, #tpu.memory_space<hbm>>
    %dma_start3A_32 = arith.constant 0 : i32
    %dma_start3A_33 = tpu.memref_slice %arg4[%add3A_26, %dma_start3A_32] : memref<5120x768xf32, #tpu.memory_space<hbm>> -> memref<80x768xf32, #tpu.memory_space<hbm>>
    %dma_start3A_34 = arith.constant 0 : i32
    %dma_start3A_35 = arith.constant 0 : i32
    %dma_start3A_36 = tpu.memref_slice %arg6[%dma_start3A_34, %dma_start3A_35] : memref<160x768xf32, #tpu.memory_space<vmem>> -> memref<80x768xf32, #tpu.memory_space<vmem>>
    tpu.enqueue_dma source(%dma_start3A_36 : memref<80x768xf32, #tpu.memory_space<vmem>>) target(%dma_start3A_33 : memref<80x768xf32, #tpu.memory_space<hbm>>) target_semaphore(%arg7 : memref<!tpu.dma_semaphore, #tpu.memory_space<semaphore_mem>>)
    %dma_wait3A_37 = arith.constant 80 : i32
    %dma_wait3A_38 = arith.constant 0 : i32
    %dma_wait3A_39 = tpu.memref_slice %arg6[%dma_wait3A_37, %dma_wait3A_38] : memref<160x768xf32, #tpu.memory_space<vmem>> -> memref<80x768xf32, #tpu.memory_space<vmem>>
    %dma_wait3A_40 = arith.constant 80 : i32
    %dma_wait3A_41 = tpu.memref_slice %arg5[%dma_wait3A_40] : memref<160xi32, #tpu.memory_space<vmem>> -> memref<80xi32, #tpu.memory_space<vmem>>
    %dma_wait3A_42 = arith.constant 0 : i32
    %dma_wait3A_43 = arith.constant 0 : i32
    %dma_wait3A_44 = tpu.memref_slice %arg3[%dma_wait3A_42, %dma_wait3A_43] : memref<2048x768xf32, #tpu.memory_space<hbm>> -> memref<2048x768xf32, #tpu.memory_space<hbm>>
    tpu.wait_indirect_dma semaphore(%arg8 : memref<!tpu.dma_semaphore, #tpu.memory_space<semaphore_mem>>) src(%dma_wait3A_44 : memref<2048x768xf32, #tpu.memory_space<hbm>>) dst(%dma_wait3A_39 : memref<80x768xf32, #tpu.memory_space<vmem>>)
    %add3A_45 = arith.constant 80 : i32
    %add3A_46 = arith.addi %mul3A_2, %add3A_45 : i32
    %dma_start3A_47 = arith.constant 80 : i32
    %dma_start3A_48 = arith.constant 0 : i32
    %dma_start3A_49 = tpu.memref_slice %arg6[%dma_start3A_47, %dma_start3A_48] : memref<160x768xf32, #tpu.memory_space<vmem>> -> memref<80x768xf32, #tpu.memory_space<vmem>>
    %dma_start3A_50 = arith.constant 0 : i32
    %dma_start3A_51 = tpu.memref_slice %arg4[%add3A_46, %dma_start3A_50] : memref<5120x768xf32, #tpu.memory_space<hbm>> -> memref<80x768xf32, #tpu.memory_space<hbm>>
    %dma_start3A_52 = arith.constant 0 : i32
    %dma_start3A_53 = tpu.memref_slice %arg4[%add3A_46, %dma_start3A_52] : memref<5120x768xf32, #tpu.memory_space<hbm>> -> memref<80x768xf32, #tpu.memory_space<hbm>>
    %dma_start3A_54 = arith.constant 80 : i32
    %dma_start3A_55 = arith.constant 0 : i32
    %dma_start3A_56 = tpu.memref_slice %arg6[%dma_start3A_54, %dma_start3A_55] : memref<160x768xf32, #tpu.memory_space<vmem>> -> memref<80x768xf32, #tpu.memory_space<vmem>>
    tpu.enqueue_dma source(%dma_start3A_56 : memref<80x768xf32, #tpu.memory_space<vmem>>) target(%dma_start3A_53 : memref<80x768xf32, #tpu.memory_space<hbm>>) target_semaphore(%arg8 : memref<!tpu.dma_semaphore, #tpu.memory_space<semaphore_mem>>)
    %dma_wait3A_57 = arith.constant 0 : i32
    %dma_wait3A_58 = arith.constant 0 : i32
    %dma_wait3A_59 = tpu.memref_slice %arg6[%dma_wait3A_57, %dma_wait3A_58] : memref<160x768xf32, #tpu.memory_space<vmem>> -> memref<80x768xf32, #tpu.memory_space<vmem>>
    %dma_wait3A_60 = arith.constant 0 : i32
    %dma_wait3A_61 = tpu.memref_slice %arg4[%add3A_26, %dma_wait3A_60] : memref<5120x768xf32, #tpu.memory_space<hbm>> -> memref<80x768xf32, #tpu.memory_space<hbm>>
    %dma_wait3A_62 = arith.constant 0 : i32
    %dma_wait3A_63 = tpu.memref_slice %arg4[%add3A_26, %dma_wait3A_62] : memref<5120x768xf32, #tpu.memory_space<hbm>> -> memref<80x768xf32, #tpu.memory_space<hbm>>
    %dma_wait3A_64 = arith.constant 0 : i32
    %dma_wait3A_65 = arith.constant 0 : i32
    %dma_wait3A_66 = tpu.memref_slice %arg6[%dma_wait3A_64, %dma_wait3A_65] : memref<160x768xf32, #tpu.memory_space<vmem>> -> memref<80x768xf32, #tpu.memory_space<vmem>>
    tpu.wait_dma2 semaphore(%arg7 : memref<!tpu.dma_semaphore, #tpu.memory_space<semaphore_mem>>) src(%dma_wait3A_66 : memref<80x768xf32, #tpu.memory_space<vmem>>) dst(%dma_wait3A_63 : memref<80x768xf32, #tpu.memory_space<hbm>>)
    %dma_wait3A_67 = arith.constant 80 : i32
    %dma_wait3A_68 = arith.constant 0 : i32
    %dma_wait3A_69 = tpu.memref_slice %arg6[%dma_wait3A_67, %dma_wait3A_68] : memref<160x768xf32, #tpu.memory_space<vmem>> -> memref<80x768xf32, #tpu.memory_space<vmem>>
    %dma_wait3A_70 = arith.constant 0 : i32
    %dma_wait3A_71 = tpu.memref_slice %arg4[%add3A_46, %dma_wait3A_70] : memref<5120x768xf32, #tpu.memory_space<hbm>> -> memref<80x768xf32, #tpu.memory_space<hbm>>
    %dma_wait3A_72 = arith.constant 0 : i32
    %dma_wait3A_73 = tpu.memref_slice %arg4[%add3A_46, %dma_wait3A_72] : memref<5120x768xf32, #tpu.memory_space<hbm>> -> memref<80x768xf32, #tpu.memory_space<hbm>>
    %dma_wait3A_74 = arith.constant 80 : i32
    %dma_wait3A_75 = arith.constant 0 : i32
    %dma_wait3A_76 = tpu.memref_slice %arg6[%dma_wait3A_74, %dma_wait3A_75] : memref<160x768xf32, #tpu.memory_space<vmem>> -> memref<80x768xf32, #tpu.memory_space<vmem>>
    tpu.wait_dma2 semaphore(%arg8 : memref<!tpu.dma_semaphore, #tpu.memory_space<semaphore_mem>>) src(%dma_wait3A_76 : memref<80x768xf32, #tpu.memory_space<vmem>>) dst(%dma_wait3A_73 : memref<80x768xf32, #tpu.memory_space<hbm>>)
    return
  }
}

#map = affine_map<(d0, d1) -> (0)>
#map1 = affine_map<(d0, d1) -> (0, 0)>
module attributes {stable_mosaic.version = 14 : i64} {
  func.func @_sc_gather_pair_body(%arg0: i32, %arg1: i32, %arg2: memref<2048xi32, #tpu.memory_space<hbm>>, %arg3: memref<2048xi32, #tpu.memory_space<hbm>>, %arg4: memref<5120x768xf32, #tpu.memory_space<hbm>>, %arg5: memref<2048x768xf32, #tpu.memory_space<hbm>>, %arg6: memref<2048x768xf32, #tpu.memory_space<hbm>>, %arg7: memref<64xi32, #tpu.memory_space<vmem>>, %arg8: memref<64xi32, #tpu.memory_space<vmem>>, %arg9: memref<64x768xf32, #tpu.memory_space<vmem>>, %arg10: memref<64x768xf32, #tpu.memory_space<vmem>>, %arg11: memref<!tpu.dma_semaphore, #tpu.memory_space<semaphore_mem>>, %arg12: memref<!tpu.dma_semaphore, #tpu.memory_space<semaphore_mem>>) attributes {dimension_semantics = [#tpu.dimension_semantics<core_parallel>, #tpu.dimension_semantics<subcore_parallel>], iteration_bounds = array<i64: 2, 16>, scalar_prefetch = 0 : i64, scratch_operands = 6 : i64, tpu.core_type = #tpu.core_type<sc_vector_subcore>, window_params = [{transform_indices = #map}, {transform_indices = #map}, {transform_indices = #map1}, {transform_indices = #map1}, {transform_indices = #map1}]} {
    %mul3A = arith.constant 2 : i32
    %mul3A_0 = arith.muli %arg1, %mul3A : i32
    %add3A = arith.addi %mul3A_0, %arg0 : i32
    %mul3A_1 = arith.constant 64 : i32
    %mul3A_2 = arith.muli %add3A, %mul3A_1 : i32
    "tpu.region"() ({
      %run_scoped3A = tpu.sem_alloc : memref<!tpu.dma_semaphore, #tpu.memory_space<semaphore_mem>>
      %dma_start3A_29 = tpu.memref_slice %arg2[%mul3A_2] : memref<2048xi32, #tpu.memory_space<hbm>> -> memref<64xi32, #tpu.memory_space<hbm>>
      %dma_start3A_30 = tpu.memref_slice %arg2[%mul3A_2] : memref<2048xi32, #tpu.memory_space<hbm>> -> memref<64xi32, #tpu.memory_space<hbm>>
      tpu.enqueue_dma source(%dma_start3A_30 : memref<64xi32, #tpu.memory_space<hbm>>) target(%arg7 : memref<64xi32, #tpu.memory_space<vmem>>) target_semaphore(%run_scoped3A : memref<!tpu.dma_semaphore, #tpu.memory_space<semaphore_mem>>)
      %dma_wait3A_31 = tpu.memref_slice %arg2[%mul3A_2] : memref<2048xi32, #tpu.memory_space<hbm>> -> memref<64xi32, #tpu.memory_space<hbm>>
      %dma_wait3A_32 = tpu.memref_slice %arg2[%mul3A_2] : memref<2048xi32, #tpu.memory_space<hbm>> -> memref<64xi32, #tpu.memory_space<hbm>>
      tpu.wait_dma2 semaphore(%run_scoped3A : memref<!tpu.dma_semaphore, #tpu.memory_space<semaphore_mem>>) src(%dma_wait3A_32 : memref<64xi32, #tpu.memory_space<hbm>>) dst(%arg7 : memref<64xi32, #tpu.memory_space<vmem>>)
      tpu.yield
    }) : () -> ()
    "tpu.region"() ({
      %run_scoped3A = tpu.sem_alloc : memref<!tpu.dma_semaphore, #tpu.memory_space<semaphore_mem>>
      %dma_start3A_29 = tpu.memref_slice %arg3[%mul3A_2] : memref<2048xi32, #tpu.memory_space<hbm>> -> memref<64xi32, #tpu.memory_space<hbm>>
      %dma_start3A_30 = tpu.memref_slice %arg3[%mul3A_2] : memref<2048xi32, #tpu.memory_space<hbm>> -> memref<64xi32, #tpu.memory_space<hbm>>
      tpu.enqueue_dma source(%dma_start3A_30 : memref<64xi32, #tpu.memory_space<hbm>>) target(%arg8 : memref<64xi32, #tpu.memory_space<vmem>>) target_semaphore(%run_scoped3A : memref<!tpu.dma_semaphore, #tpu.memory_space<semaphore_mem>>)
      %dma_wait3A_31 = tpu.memref_slice %arg3[%mul3A_2] : memref<2048xi32, #tpu.memory_space<hbm>> -> memref<64xi32, #tpu.memory_space<hbm>>
      %dma_wait3A_32 = tpu.memref_slice %arg3[%mul3A_2] : memref<2048xi32, #tpu.memory_space<hbm>> -> memref<64xi32, #tpu.memory_space<hbm>>
      tpu.wait_dma2 semaphore(%run_scoped3A : memref<!tpu.dma_semaphore, #tpu.memory_space<semaphore_mem>>) src(%dma_wait3A_32 : memref<64xi32, #tpu.memory_space<hbm>>) dst(%arg8 : memref<64xi32, #tpu.memory_space<vmem>>)
      tpu.yield
    }) : () -> ()
    %dma_start3A = arith.constant 0 : i32
    %dma_start3A_3 = arith.constant 0 : i32
    %dma_start3A_4 = tpu.memref_slice %arg4[%dma_start3A, %dma_start3A_3] : memref<5120x768xf32, #tpu.memory_space<hbm>> -> memref<5120x768xf32, #tpu.memory_space<hbm>>
    tpu.enqueue_indirect_dma source(%dma_start3A_4 : memref<5120x768xf32, #tpu.memory_space<hbm>>) target(%arg9 : memref<64x768xf32, #tpu.memory_space<vmem>>) offsets(%arg7 : memref<64xi32, #tpu.memory_space<vmem>>) semaphore(%arg11 : memref<!tpu.dma_semaphore, #tpu.memory_space<semaphore_mem>>)
    %dma_start3A_5 = arith.constant 0 : i32
    %dma_start3A_6 = arith.constant 0 : i32
    %dma_start3A_7 = tpu.memref_slice %arg4[%dma_start3A_5, %dma_start3A_6] : memref<5120x768xf32, #tpu.memory_space<hbm>> -> memref<5120x768xf32, #tpu.memory_space<hbm>>
    tpu.enqueue_indirect_dma source(%dma_start3A_7 : memref<5120x768xf32, #tpu.memory_space<hbm>>) target(%arg10 : memref<64x768xf32, #tpu.memory_space<vmem>>) offsets(%arg8 : memref<64xi32, #tpu.memory_space<vmem>>) semaphore(%arg12 : memref<!tpu.dma_semaphore, #tpu.memory_space<semaphore_mem>>)
    %dma_wait3A = arith.constant 0 : i32
    %dma_wait3A_8 = arith.constant 0 : i32
    %dma_wait3A_9 = tpu.memref_slice %arg4[%dma_wait3A, %dma_wait3A_8] : memref<5120x768xf32, #tpu.memory_space<hbm>> -> memref<5120x768xf32, #tpu.memory_space<hbm>>
    tpu.wait_indirect_dma semaphore(%arg11 : memref<!tpu.dma_semaphore, #tpu.memory_space<semaphore_mem>>) src(%dma_wait3A_9 : memref<5120x768xf32, #tpu.memory_space<hbm>>) dst(%arg9 : memref<64x768xf32, #tpu.memory_space<vmem>>)
    %dma_start3A_10 = arith.constant 0 : i32
    %dma_start3A_11 = tpu.memref_slice %arg5[%mul3A_2, %dma_start3A_10] : memref<2048x768xf32, #tpu.memory_space<hbm>> -> memref<64x768xf32, #tpu.memory_space<hbm>>
    %dma_start3A_12 = arith.constant 0 : i32
    %dma_start3A_13 = tpu.memref_slice %arg5[%mul3A_2, %dma_start3A_12] : memref<2048x768xf32, #tpu.memory_space<hbm>> -> memref<64x768xf32, #tpu.memory_space<hbm>>
    tpu.enqueue_dma source(%arg9 : memref<64x768xf32, #tpu.memory_space<vmem>>) target(%dma_start3A_13 : memref<64x768xf32, #tpu.memory_space<hbm>>) target_semaphore(%arg11 : memref<!tpu.dma_semaphore, #tpu.memory_space<semaphore_mem>>)
    %dma_wait3A_14 = arith.constant 0 : i32
    %dma_wait3A_15 = arith.constant 0 : i32
    %dma_wait3A_16 = tpu.memref_slice %arg4[%dma_wait3A_14, %dma_wait3A_15] : memref<5120x768xf32, #tpu.memory_space<hbm>> -> memref<5120x768xf32, #tpu.memory_space<hbm>>
    tpu.wait_indirect_dma semaphore(%arg12 : memref<!tpu.dma_semaphore, #tpu.memory_space<semaphore_mem>>) src(%dma_wait3A_16 : memref<5120x768xf32, #tpu.memory_space<hbm>>) dst(%arg10 : memref<64x768xf32, #tpu.memory_space<vmem>>)
    %dma_start3A_17 = arith.constant 0 : i32
    %dma_start3A_18 = tpu.memref_slice %arg6[%mul3A_2, %dma_start3A_17] : memref<2048x768xf32, #tpu.memory_space<hbm>> -> memref<64x768xf32, #tpu.memory_space<hbm>>
    %dma_start3A_19 = arith.constant 0 : i32
    %dma_start3A_20 = tpu.memref_slice %arg6[%mul3A_2, %dma_start3A_19] : memref<2048x768xf32, #tpu.memory_space<hbm>> -> memref<64x768xf32, #tpu.memory_space<hbm>>
    tpu.enqueue_dma source(%arg10 : memref<64x768xf32, #tpu.memory_space<vmem>>) target(%dma_start3A_20 : memref<64x768xf32, #tpu.memory_space<hbm>>) target_semaphore(%arg12 : memref<!tpu.dma_semaphore, #tpu.memory_space<semaphore_mem>>)
    %dma_wait3A_21 = arith.constant 0 : i32
    %dma_wait3A_22 = tpu.memref_slice %arg5[%mul3A_2, %dma_wait3A_21] : memref<2048x768xf32, #tpu.memory_space<hbm>> -> memref<64x768xf32, #tpu.memory_space<hbm>>
    %dma_wait3A_23 = arith.constant 0 : i32
    %dma_wait3A_24 = tpu.memref_slice %arg5[%mul3A_2, %dma_wait3A_23] : memref<2048x768xf32, #tpu.memory_space<hbm>> -> memref<64x768xf32, #tpu.memory_space<hbm>>
    tpu.wait_dma2 semaphore(%arg11 : memref<!tpu.dma_semaphore, #tpu.memory_space<semaphore_mem>>) src(%arg9 : memref<64x768xf32, #tpu.memory_space<vmem>>) dst(%dma_wait3A_24 : memref<64x768xf32, #tpu.memory_space<hbm>>)
    %dma_wait3A_25 = arith.constant 0 : i32
    %dma_wait3A_26 = tpu.memref_slice %arg6[%mul3A_2, %dma_wait3A_25] : memref<2048x768xf32, #tpu.memory_space<hbm>> -> memref<64x768xf32, #tpu.memory_space<hbm>>
    %dma_wait3A_27 = arith.constant 0 : i32
    %dma_wait3A_28 = tpu.memref_slice %arg6[%mul3A_2, %dma_wait3A_27] : memref<2048x768xf32, #tpu.memory_space<hbm>> -> memref<64x768xf32, #tpu.memory_space<hbm>>
    tpu.wait_dma2 semaphore(%arg12 : memref<!tpu.dma_semaphore, #tpu.memory_space<semaphore_mem>>) src(%arg10 : memref<64x768xf32, #tpu.memory_space<vmem>>) dst(%dma_wait3A_28 : memref<64x768xf32, #tpu.memory_space<hbm>>)
    return
  }
}

module {
  func.func @main(%arg0: i32, %arg1: i32, %arg2: i32, %arg3: memref<1x1024x1024xf32, #tpu.memory_space<vmem>>, %arg4: memref<1x1024x64xf32, #tpu.memory_space<vmem>>, %arg5: memref<1x1024x64xf32, #tpu.memory_space<vmem>>, %arg6: memref<1x1024x1xf32, #tpu.memory_space<vmem>>, %arg7: memref<1x1024x1xf32, #tpu.memory_space<vmem>>) attributes {dimension_semantics = [#tpu.dimension_semantics<parallel>, #tpu.dimension_semantics<parallel>, #tpu.dimension_semantics<arbitrary>], iteration_bounds = array<i64: 12, 2, 2>, scratch_operands = 2 : i64, window_params = [{transform_indices = @qk_fn, window_bounds = array<i64: 1, 1024, 1024>}, {transform_indices = @v_fn, window_bounds = array<i64: 1, 1024, 64>}, {transform_indices = @oi_fn, window_bounds = array<i64: 1, 1024, 64>}]} {
    %c0 = arith.constant 0 : index
    %c0_i32 = arith.constant 0 : i32
    %0 = arith.cmpi eq, %c0_i32, %arg2 : i32
    scf.if %0 {
      %cst_3 = arith.constant dense<0.000000e+00> : vector<1x1024x64xf32>
      vector.store %cst_3, %arg5[%c0, %c0, %c0] : memref<1x1024x64xf32, #tpu.memory_space<vmem>>, vector<1x1024x64xf32>
      %cst_4 = arith.constant dense<0xFF800000> : vector<1x1024x1xf32>
      vector.store %cst_4, %arg6[%c0, %c0, %c0] : memref<1x1024x1xf32, #tpu.memory_space<vmem>>, vector<1x1024x1xf32>
      %cst_5 = arith.constant dense<0.000000e+00> : vector<1x1024x1xf32>
      vector.store %cst_5, %arg7[%c0, %c0, %c0] : memref<1x1024x1xf32, #tpu.memory_space<vmem>>, vector<1x1024x1xf32>
    }
    %1 = vector.load %arg3[%c0, %c0, %c0] : memref<1x1024x1024xf32, #tpu.memory_space<vmem>>, vector<1x1024x1024xf32>
    %cst = arith.constant dense<0xFF800000> : vector<1x1024xf32>
    %2 = vector.multi_reduction <maximumf>, %1, %cst [2] : vector<1x1024x1024xf32> to vector<1x1024xf32>
    %3 = vector.shape_cast %2 : vector<1x1024xf32> to vector<1x1024x1xf32>
    %4 = vector.load %arg6[%c0, %c0, %c0] : memref<1x1024x1xf32, #tpu.memory_space<vmem>>, vector<1x1024x1xf32>
    %5 = arith.maximumf %4, %3 : vector<1x1024x1xf32>
    %cst_0 = arith.constant dense<0.000000e+00> : vector<1x1024x1xf32>
    %6 = arith.cmpf oeq, %4, %5 : vector<1x1024x1xf32>
    %7 = arith.subf %4, %5 : vector<1x1024x1xf32>
    %8 = arith.select %6, %cst_0, %7 : vector<1x1024x1xi1>, vector<1x1024x1xf32>
    %9 = vector.broadcast %5 : vector<1x1024x1xf32> to vector<1x1024x1024xf32>
    %10 = arith.subf %1, %9 : vector<1x1024x1024xf32>
    %11 = math.exp %10 : vector<1x1024x1024xf32>
    %cst_1 = arith.constant dense<0.000000e+00> : vector<1x1024xf32>
    %12 = vector.multi_reduction <add>, %11, %cst_1 [2] : vector<1x1024x1024xf32> to vector<1x1024xf32>
    %13 = vector.shape_cast %12 : vector<1x1024xf32> to vector<1x1024x1xf32>
    %14 = vector.load %arg7[%c0, %c0, %c0] : memref<1x1024x1xf32, #tpu.memory_space<vmem>>, vector<1x1024x1xf32>
    %15 = math.exp %8 : vector<1x1024x1xf32>
    %16 = arith.mulf %15, %14 : vector<1x1024x1xf32>
    %17 = arith.addf %16, %13 : vector<1x1024x1xf32>
    %18 = vector.load %arg5[%c0, %c0, %c0] : memref<1x1024x64xf32, #tpu.memory_space<vmem>>, vector<1x1024x64xf32>
    %19 = math.exp %8 : vector<1x1024x1xf32>
    %20 = arith.mulf %19, %14 : vector<1x1024x1xf32>
    %21 = vector.broadcast %20 : vector<1x1024x1xf32> to vector<1x1024x64xf32>
    %22 = arith.mulf %21, %18 : vector<1x1024x64xf32>
    %23 = vector.load %arg4[%c0, %c0, %c0] : memref<1x1024x64xf32, #tpu.memory_space<vmem>>, vector<1x1024x64xf32>
    %24 = vector.shape_cast %23 : vector<1x1024x64xf32> to vector<1024x64xf32>
    %25 = vector.shape_cast %11 : vector<1x1024x1024xf32> to vector<1024x1024xf32>
    %26 = vector.shape_cast %22 : vector<1x1024x64xf32> to vector<1024x64xf32>
    %27 = tpu.matmul %25, %24, %26 {dimension_numbers = #tpu.dot_dimension_numbers<[1], [0], [0], [1], [0, 0, 1, 1], [], []>, precision = #tpu.contract_precision<bf16>, transpose_lhs_hint = false} : vector<1024x1024xf32>, vector<1024x64xf32>, vector<1024x64xf32> -> vector<1024x64xf32>
    %28 = vector.shape_cast %27 : vector<1024x64xf32> to vector<1x1024x64xf32>
    %cst_2 = arith.constant dense<1.000000e+00> : vector<1x1024x1xf32>
    %29 = arith.divf %cst_2, %17 : vector<1x1024x1xf32>
    %30 = vector.broadcast %29 : vector<1x1024x1xf32> to vector<1x1024x64xf32>
    %31 = arith.mulf %28, %30 : vector<1x1024x64xf32>
    %32 = vector.shape_cast %31 : vector<1x1024x64xf32> to vector<1x1024x64xf32>
    vector.store %32, %arg5[%c0, %c0, %c0] : memref<1x1024x64xf32, #tpu.memory_space<vmem>>, vector<1x1024x64xf32>
    vector.store %5, %arg6[%c0, %c0, %c0] : memref<1x1024x1xf32, #tpu.memory_space<vmem>>, vector<1x1024x1xf32>
    vector.store %17, %arg7[%c0, %c0, %c0] : memref<1x1024x1xf32, #tpu.memory_space<vmem>>, vector<1x1024x1xf32>
    return
  }
  func.func @qk_fn(%arg0: i32, %arg1: i32, %arg2: i32) -> (i32, i32, i32) {
    return %arg0, %arg1, %arg2 : i32, i32, i32
  }
  func.func @v_fn(%arg0: i32, %arg1: i32, %arg2: i32) -> (i32, i32, i32) {
    %c0_i32 = arith.constant 0 : i32
    return %arg0, %arg2, %c0_i32 : i32, i32, i32
  }
  func.func @oi_fn(%arg0: i32, %arg1: i32, %arg2: i32) -> (i32, i32, i32) {
    %c0_i32 = arith.constant 0 : i32
    return %arg0, %arg1, %c0_i32 : i32, i32, i32
  }
}

module attributes {stable_mosaic.version = 14 : i64} {
  func.func @_route_rank_kernel(%arg0: i32, %arg1: memref<256x128xf32, #tpu.memory_space<vmem>>, %arg2: memref<1x128xf32, #tpu.memory_space<vmem>>, %arg3: memref<256x128xf32, #tpu.memory_space<vmem>>, %arg4: memref<256x128xi32, #tpu.memory_space<vmem>>, %arg5: memref<256x128xi32, #tpu.memory_space<vmem>>, %arg6: memref<1x128xi32, #tpu.memory_space<vmem>>, %arg7: memref<1x128xf32, #tpu.memory_space<vmem>>) attributes {dimension_semantics = [#tpu.dimension_semantics<arbitrary>], iteration_bounds = array<i64: 8>, scalar_prefetch = 0 : i64, scratch_operands = 1 : i64, tpu.core_type = #tpu.core_type<tc>, window_params = [{transform_indices = @transform_0, window_bounds = array<i64: 256, 128>}, {pipeline_mode = #tpu.pipeline_mode<synchronous>, transform_indices = @transform_1, window_bounds = array<i64: 1, 128>}, {transform_indices = @transform_2, window_bounds = array<i64: 256, 128>}, {transform_indices = @transform_3, window_bounds = array<i64: 256, 128>}, {transform_indices = @transform_4, window_bounds = array<i64: 256, 128>}, {pipeline_mode = #tpu.pipeline_mode<synchronous>, transform_indices = @transform_5, window_bounds = array<i64: 1, 128>}]} {
    %eq3A = arith.constant 0 : i32
    %eq3A_0 = arith.cmpi eq, %arg0, %eq3A : i32
    %convert_element_type3A = arith.extui %eq3A_0 : i1 to i32
    %cond3A = arith.constant 0 : i32
    %cond3A_1 = arith.cmpi ne, %convert_element_type3A, %cond3A : i32
    scf.if %cond3A_1 {
      %broadcast_in_dim3A_138 = arith.constant 0.000000e+00 : f32
      %broadcast_in_dim3A_139 = vector.broadcast %broadcast_in_dim3A_138 : f32 to vector<1x128xf32>
      %swap3A_140 = arith.constant 0 : index
      %swap3A_141 = arith.constant 0 : index
      %swap3A_142 = vector.load %arg7[%swap3A_140, %swap3A_141] : memref<1x128xf32, #tpu.memory_space<vmem>>, vector<1x128xf32>
      tpu.vector_store %arg7[%swap3A_140, %swap3A_141], %broadcast_in_dim3A_139 {strides = array<i32>} : memref<1x128xf32, #tpu.memory_space<vmem>>, vector<1x128xf32>,
    } else {
    }
    %get3A = arith.constant 0 : index
    %get3A_2 = arith.constant 0 : index
    %get3A_3 = vector.load %arg1[%get3A, %get3A_2] : memref<256x128xf32, #tpu.memory_space<vmem>>, vector<256x128xf32>
    %get3A_4 = arith.constant 0 : index
    %get3A_5 = arith.constant 0 : index
    %get3A_6 = vector.load %arg2[%get3A_4, %get3A_5] : memref<1x128xf32, #tpu.memory_space<vmem>>, vector<1x128xf32>
    %add3A = vector.broadcast %get3A_6 : vector<1x128xf32> to vector<256x128xf32>
    %add3A_7 = arith.addf %get3A_3, %add3A : vector<256x128xf32>
    %iota3A = tpu.iota {dimensions = array<i32: 1>} : vector<256x128xi32>
    %reduce_max3A = arith.constant dense<0xFF800000> : vector<256xf32>
    %reduce_max3A_8 = vector.multi_reduction <maximumf>, %add3A_7, %reduce_max3A [1] : vector<256x128xf32> to vector<256xf32>
    %broadcast_in_dim3A = vector.shape_cast %reduce_max3A_8 : vector<256xf32> to vector<256x1xf32>
    %eq3A_9 = vector.broadcast %broadcast_in_dim3A : vector<256x1xf32> to vector<256x128xf32>
    %eq3A_10 = arith.cmpf oeq, %add3A_7, %eq3A_9 : vector<256x128xf32>
    %jit3A = arith.constant 1073741824 : i32
    %broadcast_in_dim3A_11 = vector.broadcast %jit3A : i32 to vector<256x128xi32>
    %select_n3A = arith.select %eq3A_10, %iota3A, %broadcast_in_dim3A_11 : vector<256x128xi1>, vector<256x128xi32>
    %reduce_min3A = arith.constant dense<2147483647> : vector<256xi32>
    %reduce_min3A_12 = vector.multi_reduction <minsi>, %select_n3A, %reduce_min3A [1] : vector<256x128xi32> to vector<256xi32>
    %broadcast_in_dim3A_13 = vector.shape_cast %reduce_min3A_12 : vector<256xi32> to vector<256x1xi32>
    %eq3A_14 = vector.broadcast %broadcast_in_dim3A_13 : vector<256x1xi32> to vector<256x128xi32>
    %eq3A_15 = arith.cmpi eq, %iota3A, %eq3A_14 : vector<256x128xi32>
    %jit3A_16 = arith.constant 0.000000e+00 : f32
    %broadcast_in_dim3A_17 = vector.broadcast %jit3A_16 : f32 to vector<256x128xf32>
    %select_n3A_18 = arith.select %eq3A_15, %get3A_3, %broadcast_in_dim3A_17 : vector<256x128xi1>, vector<256x128xf32>
    %reduce_sum3A = arith.constant dense<0.000000e+00> : vector<256xf32>
    %reduce_sum3A_19 = vector.multi_reduction <add>, %select_n3A_18, %reduce_sum3A [1] : vector<256x128xf32> to vector<256xf32>
    %broadcast_in_dim3A_20 = vector.shape_cast %reduce_sum3A_19 : vector<256xf32> to vector<256x1xf32>
    %jit3A_21 = arith.constant 0xFF800000 : f32
    %broadcast_in_dim3A_22 = vector.broadcast %jit3A_21 : f32 to vector<256x128xf32>
    %select_n3A_23 = arith.select %eq3A_15, %broadcast_in_dim3A_22, %add3A_7 : vector<256x128xi1>, vector<256x128xf32>
    %reduce_max3A_24 = arith.constant dense<0xFF800000> : vector<256xf32>
    %reduce_max3A_25 = vector.multi_reduction <maximumf>, %select_n3A_23, %reduce_max3A_24 [1] : vector<256x128xf32> to vector<256xf32>
    %broadcast_in_dim3A_26 = vector.shape_cast %reduce_max3A_25 : vector<256xf32> to vector<256x1xf32>
    %eq3A_27 = vector.broadcast %broadcast_in_dim3A_26 : vector<256x1xf32> to vector<256x128xf32>
    %eq3A_28 = arith.cmpf oeq, %select_n3A_23, %eq3A_27 : vector<256x128xf32>
    %jit3A_29 = arith.constant 1073741824 : i32
    %broadcast_in_dim3A_30 = vector.broadcast %jit3A_29 : i32 to vector<256x128xi32>
    %select_n3A_31 = arith.select %eq3A_28, %iota3A, %broadcast_in_dim3A_30 : vector<256x128xi1>, vector<256x128xi32>
    %reduce_min3A_32 = arith.constant dense<2147483647> : vector<256xi32>
    %reduce_min3A_33 = vector.multi_reduction <minsi>, %select_n3A_31, %reduce_min3A_32 [1] : vector<256x128xi32> to vector<256xi32>
    %broadcast_in_dim3A_34 = vector.shape_cast %reduce_min3A_33 : vector<256xi32> to vector<256x1xi32>
    %eq3A_35 = vector.broadcast %broadcast_in_dim3A_34 : vector<256x1xi32> to vector<256x128xi32>
    %eq3A_36 = arith.cmpi eq, %iota3A, %eq3A_35 : vector<256x128xi32>
    %jit3A_37 = arith.constant 0.000000e+00 : f32
    %broadcast_in_dim3A_38 = vector.broadcast %jit3A_37 : f32 to vector<256x128xf32>
    %select_n3A_39 = arith.select %eq3A_36, %get3A_3, %broadcast_in_dim3A_38 : vector<256x128xi1>, vector<256x128xf32>
    %reduce_sum3A_40 = arith.constant dense<0.000000e+00> : vector<256xf32>
    %reduce_sum3A_41 = vector.multi_reduction <add>, %select_n3A_39, %reduce_sum3A_40 [1] : vector<256x128xf32> to vector<256xf32>
    %broadcast_in_dim3A_42 = vector.shape_cast %reduce_sum3A_41 : vector<256xf32> to vector<256x1xf32>
    %max3A = arith.maximumf %broadcast_in_dim3A_20, %broadcast_in_dim3A_42 : vector<256x1xf32>
    %sub3A = arith.subf %broadcast_in_dim3A_20, %max3A : vector<256x1xf32>
    %exp3A = math.exp %sub3A : vector<256x1xf32>
    %sub3A_43 = arith.subf %broadcast_in_dim3A_42, %max3A : vector<256x1xf32>
    %exp3A_44 = math.exp %sub3A_43 : vector<256x1xf32>
    %add3A_45 = arith.addf %exp3A, %exp3A_44 : vector<256x1xf32>
    %eq3A_46 = arith.constant 0 : i32
    %eq3A_47 = vector.broadcast %eq3A_46 : i32 to vector<256x128xi32>
    %eq3A_48 = arith.cmpi eq, %iota3A, %eq3A_47 : vector<256x128xi32>
    %div3A = arith.divf %exp3A, %add3A_45 : vector<256x1xf32>
    %eq3A_49 = arith.constant 1 : i32
    %eq3A_50 = vector.broadcast %eq3A_49 : i32 to vector<256x128xi32>
    %eq3A_51 = arith.cmpi eq, %iota3A, %eq3A_50 : vector<256x128xi32>
    %div3A_52 = arith.divf %exp3A_44, %add3A_45 : vector<256x1xf32>
    %jit3A_53 = arith.constant 0.000000e+00 : f32
    %broadcast_in_dim3A_54 = vector.shape_cast %div3A_52 : vector<256x1xf32> to vector<256x1xf32>
    %broadcast_in_dim3A_55 = vector.broadcast %broadcast_in_dim3A_54 : vector<256x1xf32> to vector<256x128xf32>
    %broadcast_in_dim3A_56 = vector.broadcast %jit3A_53 : f32 to vector<256x128xf32>
    %select_n3A_57 = arith.select %eq3A_51, %broadcast_in_dim3A_55, %broadcast_in_dim3A_56 : vector<256x128xi1>, vector<256x128xf32>
    %broadcast_in_dim3A_58 = vector.shape_cast %div3A : vector<256x1xf32> to vector<256x1xf32>
    %broadcast_in_dim3A_59 = vector.broadcast %broadcast_in_dim3A_58 : vector<256x1xf32> to vector<256x128xf32>
    %select_n3A_60 = arith.select %eq3A_48, %broadcast_in_dim3A_59, %select_n3A_57 : vector<256x128xi1>, vector<256x128xf32>
    %swap3A = arith.constant 0 : index
    %swap3A_61 = arith.constant 0 : index
    %swap3A_62 = vector.load %arg3[%swap3A, %swap3A_61] : memref<256x128xf32, #tpu.memory_space<vmem>>, vector<256x128xf32>
    tpu.vector_store %arg3[%swap3A, %swap3A_61], %select_n3A_60 {strides = array<i32>} : memref<256x128xf32, #tpu.memory_space<vmem>>, vector<256x128xf32>,
    %eq3A_63 = arith.constant 0 : i32
    %eq3A_64 = vector.broadcast %eq3A_63 : i32 to vector<256x128xi32>
    %eq3A_65 = arith.cmpi eq, %iota3A, %eq3A_64 : vector<256x128xi32>
    %eq3A_66 = arith.constant 1 : i32
    %eq3A_67 = vector.broadcast %eq3A_66 : i32 to vector<256x128xi32>
    %eq3A_68 = arith.cmpi eq, %iota3A, %eq3A_67 : vector<256x128xi32>
    %jit3A_69 = arith.constant 0 : i32
    %broadcast_in_dim3A_70 = vector.shape_cast %broadcast_in_dim3A_34 : vector<256x1xi32> to vector<256x1xi32>
    %broadcast_in_dim3A_71 = vector.broadcast %broadcast_in_dim3A_70 : vector<256x1xi32> to vector<256x128xi32>
    %broadcast_in_dim3A_72 = vector.broadcast %jit3A_69 : i32 to vector<256x128xi32>
    %select_n3A_73 = arith.select %eq3A_68, %broadcast_in_dim3A_71, %broadcast_in_dim3A_72 : vector<256x128xi1>, vector<256x128xi32>
    %broadcast_in_dim3A_74 = vector.shape_cast %broadcast_in_dim3A_13 : vector<256x1xi32> to vector<256x1xi32>
    %broadcast_in_dim3A_75 = vector.broadcast %broadcast_in_dim3A_74 : vector<256x1xi32> to vector<256x128xi32>
    %select_n3A_76 = arith.select %eq3A_65, %broadcast_in_dim3A_75, %select_n3A_73 : vector<256x128xi1>, vector<256x128xi32>
    %swap3A_77 = arith.constant 0 : index
    %swap3A_78 = arith.constant 0 : index
    %swap3A_79 = vector.load %arg4[%swap3A_77, %swap3A_78] : memref<256x128xi32, #tpu.memory_space<vmem>>, vector<256x128xi32>
    tpu.vector_store %arg4[%swap3A_77, %swap3A_78], %select_n3A_76 {strides = array<i32>} : memref<256x128xi32, #tpu.memory_space<vmem>>, vector<256x128xi32>,
    %or3A = arith.ori %eq3A_15, %eq3A_36 : vector<256x128xi1>
    %convert_element_type3A_80 = arith.extui %or3A : vector<256x128xi1> to vector<256x128xi32>
    %convert_element_type3A_81 = arith.sitofp %convert_element_type3A_80 : vector<256x128xi32> to vector<256x128xf32>
    %iota3A_82 = tpu.iota {dimensions = array<i32: 0>} : vector<256x256xi32>
    %iota3A_83 = tpu.iota {dimensions = array<i32: 1>} : vector<256x256xi32>
    %lt3A = arith.cmpi slt, %iota3A_83, %iota3A_82 : vector<256x256xi32>
    %convert_element_type3A_84 = arith.extui %lt3A : vector<256x256xi1> to vector<256x256xi32>
    %convert_element_type3A_85 = arith.sitofp %convert_element_type3A_84 : vector<256x256xi32> to vector<256x256xf32>
    %dot_general3A = arith.constant dense<0.000000e+00> : vector<256x128xf32>
    %dot_general3A_86 = tpu.matmul %convert_element_type3A_85, %convert_element_type3A_81, %dot_general3A {dimension_numbers = #tpu.dot_dimension_numbers<[1], [0], [0], [1], [0, 0, 1, 1], [], []>, transpose_lhs_hint = false} : vector<256x256xf32>, vector<256x128xf32>, vector<256x128xf32> -> vector<256x128xf32>
    %get3A_87 = arith.constant 0 : index
    %get3A_88 = arith.constant 0 : index
    %get3A_89 = vector.load %arg7[%get3A_87, %get3A_88] : memref<1x128xf32, #tpu.memory_space<vmem>>, vector<1x128xf32>
    %add3A_90 = vector.broadcast %get3A_89 : vector<1x128xf32> to vector<256x128xf32>
    %add3A_91 = arith.addf %dot_general3A_86, %add3A_90 : vector<256x128xf32>
    %jit3A_92 = arith.constant 0.000000e+00 : f32
    %broadcast_in_dim3A_93 = vector.broadcast %jit3A_92 : f32 to vector<256x128xf32>
    %select_n3A_94 = arith.select %eq3A_15, %add3A_91, %broadcast_in_dim3A_93 : vector<256x128xi1>, vector<256x128xf32>
    %reduce_sum3A_95 = arith.constant dense<0.000000e+00> : vector<256xf32>
    %reduce_sum3A_96 = vector.multi_reduction <add>, %select_n3A_94, %reduce_sum3A_95 [1] : vector<256x128xf32> to vector<256xf32>
    %broadcast_in_dim3A_97 = vector.shape_cast %reduce_sum3A_96 : vector<256xf32> to vector<256x1xf32>
    %jit3A_98 = arith.constant 0.000000e+00 : f32
    %broadcast_in_dim3A_99 = vector.broadcast %jit3A_98 : f32 to vector<256x128xf32>
    %select_n3A_100 = arith.select %eq3A_36, %add3A_91, %broadcast_in_dim3A_99 : vector<256x128xi1>, vector<256x128xf32>
    %reduce_sum3A_101 = arith.constant dense<0.000000e+00> : vector<256xf32>
    %reduce_sum3A_102 = vector.multi_reduction <add>, %select_n3A_100, %reduce_sum3A_101 [1] : vector<256x128xf32> to vector<256xf32>
    %broadcast_in_dim3A_103 = vector.shape_cast %reduce_sum3A_102 : vector<256xf32> to vector<256x1xf32>
    %eq3A_104 = arith.constant 0 : i32
    %eq3A_105 = vector.broadcast %eq3A_104 : i32 to vector<256x128xi32>
    %eq3A_106 = arith.cmpi eq, %iota3A, %eq3A_105 : vector<256x128xi32>
    %convert_element_type3A_107 = arith.fptosi %broadcast_in_dim3A_97 : vector<256x1xf32> to vector<256x1xi32>
    %eq3A_108 = arith.constant 1 : i32
    %eq3A_109 = vector.broadcast %eq3A_108 : i32 to vector<256x128xi32>
    %eq3A_110 = arith.cmpi eq, %iota3A, %eq3A_109 : vector<256x128xi32>
    %convert_element_type3A_111 = arith.fptosi %broadcast_in_dim3A_103 : vector<256x1xf32> to vector<256x1xi32>
    %jit3A_112 = arith.constant 0 : i32
    %broadcast_in_dim3A_113 = vector.shape_cast %convert_element_type3A_111 : vector<256x1xi32> to vector<256x1xi32>
    %broadcast_in_dim3A_114 = vector.broadcast %broadcast_in_dim3A_113 : vector<256x1xi32> to vector<256x128xi32>
    %broadcast_in_dim3A_115 = vector.broadcast %jit3A_112 : i32 to vector<256x128xi32>
    %select_n3A_116 = arith.select %eq3A_110, %broadcast_in_dim3A_114, %broadcast_in_dim3A_115 : vector<256x128xi1>, vector<256x128xi32>
    %broadcast_in_dim3A_117 = vector.shape_cast %convert_element_type3A_107 : vector<256x1xi32> to vector<256x1xi32>
    %broadcast_in_dim3A_118 = vector.broadcast %broadcast_in_dim3A_117 : vector<256x1xi32> to vector<256x128xi32>
    %select_n3A_119 = arith.select %eq3A_106, %broadcast_in_dim3A_118, %select_n3A_116 : vector<256x128xi1>, vector<256x128xi32>
    %swap3A_120 = arith.constant 0 : index
    %swap3A_121 = arith.constant 0 : index
    %swap3A_122 = vector.load %arg5[%swap3A_120, %swap3A_121] : memref<256x128xi32, #tpu.memory_space<vmem>>, vector<256x128xi32>
    tpu.vector_store %arg5[%swap3A_120, %swap3A_121], %select_n3A_119 {strides = array<i32>} : memref<256x128xi32, #tpu.memory_space<vmem>>, vector<256x128xi32>,
    %get3A_123 = arith.constant 0 : index
    %get3A_124 = arith.constant 0 : index
    %get3A_125 = vector.load %arg7[%get3A_123, %get3A_124] : memref<1x128xf32, #tpu.memory_space<vmem>>, vector<1x128xf32>
    %reduce_sum3A_126 = arith.constant dense<0.000000e+00> : vector<128xf32>
    %reduce_sum3A_127 = vector.multi_reduction <add>, %convert_element_type3A_81, %reduce_sum3A_126 [0] : vector<256x128xf32> to vector<128xf32>
    %broadcast_in_dim3A_128 = vector.shape_cast %reduce_sum3A_127 : vector<128xf32> to vector<1x128xf32>
    %add3A_129 = arith.addf %get3A_125, %broadcast_in_dim3A_128 : vector<1x128xf32>
    %swap3A_130 = arith.constant 0 : index
    %swap3A_131 = arith.constant 0 : index
    %swap3A_132 = vector.load %arg7[%swap3A_130, %swap3A_131] : memref<1x128xf32, #tpu.memory_space<vmem>>, vector<1x128xf32>
    tpu.vector_store %arg7[%swap3A_130, %swap3A_131], %add3A_129 {strides = array<i32>} : memref<1x128xf32, #tpu.memory_space<vmem>>, vector<1x128xf32>,
    %eq3A_133 = arith.constant 7 : i32
    %eq3A_134 = arith.cmpi eq, %arg0, %eq3A_133 : i32
    %convert_element_type3A_135 = arith.extui %eq3A_134 : i1 to i32
    %cond3A_136 = arith.constant 0 : i32
    %cond3A_137 = arith.cmpi ne, %convert_element_type3A_135, %cond3A_136 : i32
    scf.if %cond3A_137 {
      %get3A_138 = arith.constant 0 : index
      %get3A_139 = arith.constant 0 : index
      %get3A_140 = vector.load %arg7[%get3A_138, %get3A_139] : memref<1x128xf32, #tpu.memory_space<vmem>>, vector<1x128xf32>
      %convert_element_type3A_141 = arith.fptosi %get3A_140 : vector<1x128xf32> to vector<1x128xi32>
      %swap3A_142 = arith.constant 0 : index
      %swap3A_143 = arith.constant 0 : index
      %swap3A_144 = vector.load %arg6[%swap3A_142, %swap3A_143] : memref<1x128xi32, #tpu.memory_space<vmem>>, vector<1x128xi32>
      tpu.vector_store %arg6[%swap3A_142, %swap3A_143], %convert_element_type3A_141 {strides = array<i32>} : memref<1x128xi32, #tpu.memory_space<vmem>>, vector<1x128xi32>,
    } else {
    }
    return
  }
  func.func @transform_0(%arg0: i32) -> (i32, i32) {
    %c0_i32 = arith.constant 0 : i32
    %c0_i32_0 = arith.constant 0 : i32
    return %arg0, %c0_i32 : i32, i32
  }
  func.func @transform_1(%arg0: i32) -> (i32, i32) {
    %c0_i32 = arith.constant 0 : i32
    %c0_i32_0 = arith.constant 0 : i32
    %c0_i32_1 = arith.constant 0 : i32
    return %c0_i32, %c0_i32_0 : i32, i32
  }
  func.func @transform_2(%arg0: i32) -> (i32, i32) {
    %c0_i32 = arith.constant 0 : i32
    %c0_i32_0 = arith.constant 0 : i32
    return %arg0, %c0_i32 : i32, i32
  }
  func.func @transform_3(%arg0: i32) -> (i32, i32) {
    %c0_i32 = arith.constant 0 : i32
    %c0_i32_0 = arith.constant 0 : i32
    return %arg0, %c0_i32 : i32, i32
  }
  func.func @transform_4(%arg0: i32) -> (i32, i32) {
    %c0_i32 = arith.constant 0 : i32
    %c0_i32_0 = arith.constant 0 : i32
    return %arg0, %c0_i32 : i32, i32
  }
  func.func @transform_5(%arg0: i32) -> (i32, i32) {
    %c0_i32 = arith.constant 0 : i32
    %c0_i32_0 = arith.constant 0 : i32
    %c0_i32_1 = arith.constant 0 : i32
    return %c0_i32, %c0_i32_0 : i32, i32
  }
}

module attributes {stable_mosaic.version = 14 : i64} {
  func.func @_dispatch2_kernel(%arg0: i32, %arg1: memref<1x128xi32, #tpu.memory_space<vmem>>, %arg2: memref<256x128xi32, #tpu.memory_space<vmem>>, %arg3: memref<256x128xi32, #tpu.memory_space<vmem>>, %arg4: memref<256x128xi32, #tpu.memory_space<vmem>>, %arg5: memref<1x128xi32, #tpu.memory_space<vmem>>) attributes {dimension_semantics = [#tpu.dimension_semantics<arbitrary>], iteration_bounds = array<i64: 8>, scalar_prefetch = 0 : i64, scratch_operands = 0 : i64, tpu.core_type = #tpu.core_type<tc>, window_params = [{pipeline_mode = #tpu.pipeline_mode<synchronous>, transform_indices = @transform_0, window_bounds = array<i64: 1, 128>}, {transform_indices = @transform_1, window_bounds = array<i64: 256, 128>}, {transform_indices = @transform_2, window_bounds = array<i64: 256, 128>}, {transform_indices = @transform_3, window_bounds = array<i64: 256, 128>}, {pipeline_mode = #tpu.pipeline_mode<synchronous>, transform_indices = @transform_4, window_bounds = array<i64: 1, 128>}]} {
    %get3A = arith.constant 0 : index
    %get3A_0 = arith.constant 0 : index
    %get3A_1 = vector.load %arg1[%get3A, %get3A_0] : memref<1x128xi32, #tpu.memory_space<vmem>>, vector<1x128xi32>
    %add3A = arith.constant 127 : i32
    %add3A_2 = vector.broadcast %add3A : i32 to vector<1x128xi32>
    %add3A_3 = arith.addi %get3A_1, %add3A_2 : vector<1x128xi32>
    %shift_right_arithmetic3A = arith.constant 7 : i32
    %shift_right_arithmetic3A_4 = vector.broadcast %shift_right_arithmetic3A : i32 to vector<1x128xi32>
    %shift_right_arithmetic3A_5 = arith.shrsi %add3A_3, %shift_right_arithmetic3A_4 : vector<1x128xi32>
    %convert_element_type3A = arith.sitofp %shift_right_arithmetic3A_5 : vector<1x128xi32> to vector<1x128xf32>
    %iota3A = tpu.iota {dimensions = array<i32: 0>} : vector<128x128xi32>
    %iota3A_6 = tpu.iota {dimensions = array<i32: 1>} : vector<128x128xi32>
    %lt3A = arith.cmpi slt, %iota3A, %iota3A_6 : vector<128x128xi32>
    %convert_element_type3A_7 = arith.extui %lt3A : vector<128x128xi1> to vector<128x128xi32>
    %convert_element_type3A_8 = arith.sitofp %convert_element_type3A_7 : vector<128x128xi32> to vector<128x128xf32>
    %dot_general3A = arith.constant dense<0.000000e+00> : vector<1x128xf32>
    %dot_general3A_9 = tpu.matmul %convert_element_type3A, %convert_element_type3A_8, %dot_general3A {dimension_numbers = #tpu.dot_dimension_numbers<[1], [0], [0], [1], [0, 0, 1, 1], [], []>, transpose_lhs_hint = false} : vector<1x128xf32>, vector<128x128xf32>, vector<1x128xf32> -> vector<1x128xf32>
    %mul3A = arith.constant 1.280000e+02 : f32
    %mul3A_10 = vector.broadcast %mul3A : f32 to vector<1x128xf32>
    %mul3A_11 = arith.mulf %dot_general3A_9, %mul3A_10 : vector<1x128xf32>
    %iota3A_12 = tpu.iota {dimensions = array<i32: 1>} : vector<256x128xi32>
    %get3A_13 = arith.constant 0 : index
    %get3A_14 = arith.constant 0 : index
    %get3A_15 = vector.load %arg2[%get3A_13, %get3A_14] : memref<256x128xi32, #tpu.memory_space<vmem>>, vector<256x128xi32>
    %eq3A = arith.constant 0 : i32
    %eq3A_16 = vector.broadcast %eq3A : i32 to vector<256x128xi32>
    %eq3A_17 = arith.cmpi eq, %iota3A_12, %eq3A_16 : vector<256x128xi32>
    %jit3A = arith.constant 0 : i32
    %broadcast_in_dim3A = vector.broadcast %jit3A : i32 to vector<256x128xi32>
    %select_n3A = arith.select %eq3A_17, %get3A_15, %broadcast_in_dim3A : vector<256x128xi1>, vector<256x128xi32>
    %reduce_sum3A = arith.constant dense<0> : vector<256xi32>
    %reduce_sum3A_18 = vector.multi_reduction <add>, %select_n3A, %reduce_sum3A [1] : vector<256x128xi32> to vector<256xi32>
    %broadcast_in_dim3A_19 = vector.shape_cast %reduce_sum3A_18 : vector<256xi32> to vector<256x1xi32>
    %eq3A_20 = arith.constant 1 : i32
    %eq3A_21 = vector.broadcast %eq3A_20 : i32 to vector<256x128xi32>
    %eq3A_22 = arith.cmpi eq, %iota3A_12, %eq3A_21 : vector<256x128xi32>
    %jit3A_23 = arith.constant 0 : i32
    %broadcast_in_dim3A_24 = vector.broadcast %jit3A_23 : i32 to vector<256x128xi32>
    %select_n3A_25 = arith.select %eq3A_22, %get3A_15, %broadcast_in_dim3A_24 : vector<256x128xi1>, vector<256x128xi32>
    %reduce_sum3A_26 = arith.constant dense<0> : vector<256xi32>
    %reduce_sum3A_27 = vector.multi_reduction <add>, %select_n3A_25, %reduce_sum3A_26 [1] : vector<256x128xi32> to vector<256xi32>
    %broadcast_in_dim3A_28 = vector.shape_cast %reduce_sum3A_27 : vector<256xi32> to vector<256x1xi32>
    %get3A_29 = arith.constant 0 : index
    %get3A_30 = arith.constant 0 : index
    %get3A_31 = vector.load %arg3[%get3A_29, %get3A_30] : memref<256x128xi32, #tpu.memory_space<vmem>>, vector<256x128xi32>
    %eq3A_32 = arith.constant 0 : i32
    %eq3A_33 = vector.broadcast %eq3A_32 : i32 to vector<256x128xi32>
    %eq3A_34 = arith.cmpi eq, %iota3A_12, %eq3A_33 : vector<256x128xi32>
    %jit3A_35 = arith.constant 0 : i32
    %broadcast_in_dim3A_36 = vector.broadcast %jit3A_35 : i32 to vector<256x128xi32>
    %select_n3A_37 = arith.select %eq3A_34, %get3A_31, %broadcast_in_dim3A_36 : vector<256x128xi1>, vector<256x128xi32>
    %reduce_sum3A_38 = arith.constant dense<0> : vector<256xi32>
    %reduce_sum3A_39 = vector.multi_reduction <add>, %select_n3A_37, %reduce_sum3A_38 [1] : vector<256x128xi32> to vector<256xi32>
    %broadcast_in_dim3A_40 = vector.shape_cast %reduce_sum3A_39 : vector<256xi32> to vector<256x1xi32>
    %eq3A_41 = arith.constant 1 : i32
    %eq3A_42 = vector.broadcast %eq3A_41 : i32 to vector<256x128xi32>
    %eq3A_43 = arith.cmpi eq, %iota3A_12, %eq3A_42 : vector<256x128xi32>
    %jit3A_44 = arith.constant 0 : i32
    %broadcast_in_dim3A_45 = vector.broadcast %jit3A_44 : i32 to vector<256x128xi32>
    %select_n3A_46 = arith.select %eq3A_43, %get3A_31, %broadcast_in_dim3A_45 : vector<256x128xi1>, vector<256x128xi32>
    %reduce_sum3A_47 = arith.constant dense<0> : vector<256xi32>
    %reduce_sum3A_48 = vector.multi_reduction <add>, %select_n3A_46, %reduce_sum3A_47 [1] : vector<256x128xi32> to vector<256xi32>
    %broadcast_in_dim3A_49 = vector.shape_cast %reduce_sum3A_48 : vector<256xi32> to vector<256x1xi32>
    %eq3A_50 = vector.broadcast %broadcast_in_dim3A_19 : vector<256x1xi32> to vector<256x128xi32>
    %eq3A_51 = arith.cmpi eq, %iota3A_12, %eq3A_50 : vector<256x128xi32>
    %jit3A_52 = arith.constant 0.000000e+00 : f32
    %broadcast_in_dim3A_53 = vector.shape_cast %mul3A_11 : vector<1x128xf32> to vector<1x128xf32>
    %broadcast_in_dim3A_54 = vector.broadcast %broadcast_in_dim3A_53 : vector<1x128xf32> to vector<256x128xf32>
    %broadcast_in_dim3A_55 = vector.broadcast %jit3A_52 : f32 to vector<256x128xf32>
    %select_n3A_56 = arith.select %eq3A_51, %broadcast_in_dim3A_54, %broadcast_in_dim3A_55 : vector<256x128xi1>, vector<256x128xf32>
    %reduce_sum3A_57 = arith.constant dense<0.000000e+00> : vector<256xf32>
    %reduce_sum3A_58 = vector.multi_reduction <add>, %select_n3A_56, %reduce_sum3A_57 [1] : vector<256x128xf32> to vector<256xf32>
    %broadcast_in_dim3A_59 = vector.shape_cast %reduce_sum3A_58 : vector<256xf32> to vector<256x1xf32>
    %eq3A_60 = vector.broadcast %broadcast_in_dim3A_28 : vector<256x1xi32> to vector<256x128xi32>
    %eq3A_61 = arith.cmpi eq, %iota3A_12, %eq3A_60 : vector<256x128xi32>
    %jit3A_62 = arith.constant 0.000000e+00 : f32
    %broadcast_in_dim3A_63 = vector.shape_cast %mul3A_11 : vector<1x128xf32> to vector<1x128xf32>
    %broadcast_in_dim3A_64 = vector.broadcast %broadcast_in_dim3A_63 : vector<1x128xf32> to vector<256x128xf32>
    %broadcast_in_dim3A_65 = vector.broadcast %jit3A_62 : f32 to vector<256x128xf32>
    %select_n3A_66 = arith.select %eq3A_61, %broadcast_in_dim3A_64, %broadcast_in_dim3A_65 : vector<256x128xi1>, vector<256x128xf32>
    %reduce_sum3A_67 = arith.constant dense<0.000000e+00> : vector<256xf32>
    %reduce_sum3A_68 = vector.multi_reduction <add>, %select_n3A_66, %reduce_sum3A_67 [1] : vector<256x128xf32> to vector<256xf32>
    %broadcast_in_dim3A_69 = vector.shape_cast %reduce_sum3A_68 : vector<256xf32> to vector<256x1xf32>
    %convert_element_type3A_70 = arith.fptosi %broadcast_in_dim3A_59 : vector<256x1xf32> to vector<256x1xi32>
    %add3A_71 = arith.addi %convert_element_type3A_70, %broadcast_in_dim3A_40 : vector<256x1xi32>
    %convert_element_type3A_72 = arith.fptosi %broadcast_in_dim3A_69 : vector<256x1xf32> to vector<256x1xi32>
    %add3A_73 = arith.addi %convert_element_type3A_72, %broadcast_in_dim3A_49 : vector<256x1xi32>
    %eq3A_74 = arith.constant 0 : i32
    %eq3A_75 = vector.broadcast %eq3A_74 : i32 to vector<256x128xi32>
    %eq3A_76 = arith.cmpi eq, %iota3A_12, %eq3A_75 : vector<256x128xi32>
    %eq3A_77 = arith.constant 1 : i32
    %eq3A_78 = vector.broadcast %eq3A_77 : i32 to vector<256x128xi32>
    %eq3A_79 = arith.cmpi eq, %iota3A_12, %eq3A_78 : vector<256x128xi32>
    %jit3A_80 = arith.constant 0 : i32
    %broadcast_in_dim3A_81 = vector.shape_cast %add3A_73 : vector<256x1xi32> to vector<256x1xi32>
    %broadcast_in_dim3A_82 = vector.broadcast %broadcast_in_dim3A_81 : vector<256x1xi32> to vector<256x128xi32>
    %broadcast_in_dim3A_83 = vector.broadcast %jit3A_80 : i32 to vector<256x128xi32>
    %select_n3A_84 = arith.select %eq3A_79, %broadcast_in_dim3A_82, %broadcast_in_dim3A_83 : vector<256x128xi1>, vector<256x128xi32>
    %broadcast_in_dim3A_85 = vector.shape_cast %add3A_71 : vector<256x1xi32> to vector<256x1xi32>
    %broadcast_in_dim3A_86 = vector.broadcast %broadcast_in_dim3A_85 : vector<256x1xi32> to vector<256x128xi32>
    %select_n3A_87 = arith.select %eq3A_76, %broadcast_in_dim3A_86, %select_n3A_84 : vector<256x128xi1>, vector<256x128xi32>
    %swap3A = arith.constant 0 : index
    %swap3A_88 = arith.constant 0 : index
    %swap3A_89 = vector.load %arg4[%swap3A, %swap3A_88] : memref<256x128xi32, #tpu.memory_space<vmem>>, vector<256x128xi32>
    tpu.vector_store %arg4[%swap3A, %swap3A_88], %select_n3A_87 {strides = array<i32>} : memref<256x128xi32, #tpu.memory_space<vmem>>, vector<256x128xi32>,
    %iota3A_90 = tpu.iota {dimensions = array<i32: 1>} : vector<1x128xi32>
    %mul3A_91 = arith.constant 128 : i32
    %mul3A_92 = vector.broadcast %mul3A_91 : i32 to vector<1x128xi32>
    %mul3A_93 = arith.muli %iota3A_90, %mul3A_92 : vector<1x128xi32>
    %convert_element_type3A_94 = arith.sitofp %mul3A_93 : vector<1x128xi32> to vector<1x128xf32>
    %broadcast_in_dim3A_95 = arith.constant 0 : i32
    %broadcast_in_dim3A_96 = vector.broadcast %broadcast_in_dim3A_95 : i32 to vector<1x128xi32>
    %eq3A_97 = arith.constant 0 : i32
    %eq3A_98 = vector.broadcast %eq3A_97 : i32 to vector<1x128xi32>
    %eq3A_99 = arith.cmpi eq, %iota3A_90, %eq3A_98 : vector<1x128xi32>
    %jit3A_100 = arith.constant 0.000000e+00 : f32
    %broadcast_in_dim3A_101 = vector.broadcast %jit3A_100 : f32 to vector<1x128xf32>
    %select_n3A_102 = arith.select %eq3A_99, %mul3A_11, %broadcast_in_dim3A_101 : vector<1x128xi1>, vector<1x128xf32>
    %reduce_sum3A_103 = arith.constant dense<0.000000e+00> : vector<1xf32>
    %reduce_sum3A_104 = vector.multi_reduction <add>, %select_n3A_102, %reduce_sum3A_103 [1] : vector<1x128xf32> to vector<1xf32>
    %broadcast_in_dim3A_105 = vector.shape_cast %reduce_sum3A_104 : vector<1xf32> to vector<1x1xf32>
    %ge3A = vector.broadcast %broadcast_in_dim3A_105 : vector<1x1xf32> to vector<1x128xf32>
    %ge3A_106 = arith.cmpf oge, %convert_element_type3A_94, %ge3A : vector<1x128xf32>
    %convert_element_type3A_107 = arith.extui %ge3A_106 : vector<1x128xi1> to vector<1x128xi32>
    %add3A_108 = arith.addi %broadcast_in_dim3A_96, %convert_element_type3A_107 : vector<1x128xi32>
    %eq3A_109 = arith.constant 1 : i32
    %eq3A_110 = vector.broadcast %eq3A_109 : i32 to vector<1x128xi32>
    %eq3A_111 = arith.cmpi eq, %iota3A_90, %eq3A_110 : vector<1x128xi32>
    %jit3A_112 = arith.constant 0.000000e+00 : f32
    %broadcast_in_dim3A_113 = vector.broadcast %jit3A_112 : f32 to vector<1x128xf32>
    %select_n3A_114 = arith.select %eq3A_111, %mul3A_11, %broadcast_in_dim3A_113 : vector<1x128xi1>, vector<1x128xf32>
    %reduce_sum3A_115 = arith.constant dense<0.000000e+00> : vector<1xf32>
    %reduce_sum3A_116 = vector.multi_reduction <add>, %select_n3A_114, %reduce_sum3A_115 [1] : vector<1x128xf32> to vector<1xf32>
    %broadcast_in_dim3A_117 = vector.shape_cast %reduce_sum3A_116 : vector<1xf32> to vector<1x1xf32>
    %ge3A_118 = vector.broadcast %broadcast_in_dim3A_117 : vector<1x1xf32> to vector<1x128xf32>
    %ge3A_119 = arith.cmpf oge, %convert_element_type3A_94, %ge3A_118 : vector<1x128xf32>
    %convert_element_type3A_120 = arith.extui %ge3A_119 : vector<1x128xi1> to vector<1x128xi32>
    %add3A_121 = arith.addi %add3A_108, %convert_element_type3A_120 : vector<1x128xi32>
    %eq3A_122 = arith.constant 2 : i32
    %eq3A_123 = vector.broadcast %eq3A_122 : i32 to vector<1x128xi32>
    %eq3A_124 = arith.cmpi eq, %iota3A_90, %eq3A_123 : vector<1x128xi32>
    %jit3A_125 = arith.constant 0.000000e+00 : f32
    %broadcast_in_dim3A_126 = vector.broadcast %jit3A_125 : f32 to vector<1x128xf32>
    %select_n3A_127 = arith.select %eq3A_124, %mul3A_11, %broadcast_in_dim3A_126 : vector<1x128xi1>, vector<1x128xf32>
    %reduce_sum3A_128 = arith.constant dense<0.000000e+00> : vector<1xf32>
    %reduce_sum3A_129 = vector.multi_reduction <add>, %select_n3A_127, %reduce_sum3A_128 [1] : vector<1x128xf32> to vector<1xf32>
    %broadcast_in_dim3A_130 = vector.shape_cast %reduce_sum3A_129 : vector<1xf32> to vector<1x1xf32>
    %ge3A_131 = vector.broadcast %broadcast_in_dim3A_130 : vector<1x1xf32> to vector<1x128xf32>
    %ge3A_132 = arith.cmpf oge, %convert_element_type3A_94, %ge3A_131 : vector<1x128xf32>
    %convert_element_type3A_133 = arith.extui %ge3A_132 : vector<1x128xi1> to vector<1x128xi32>
    %add3A_134 = arith.addi %add3A_121, %convert_element_type3A_133 : vector<1x128xi32>
    %eq3A_135 = arith.constant 3 : i32
    %eq3A_136 = vector.broadcast %eq3A_135 : i32 to vector<1x128xi32>
    %eq3A_137 = arith.cmpi eq, %iota3A_90, %eq3A_136 : vector<1x128xi32>
    %jit3A_138 = arith.constant 0.000000e+00 : f32
    %broadcast_in_dim3A_139 = vector.broadcast %jit3A_138 : f32 to vector<1x128xf32>
    %select_n3A_140 = arith.select %eq3A_137, %mul3A_11, %broadcast_in_dim3A_139 : vector<1x128xi1>, vector<1x128xf32>
    %reduce_sum3A_141 = arith.constant dense<0.000000e+00> : vector<1xf32>
    %reduce_sum3A_142 = vector.multi_reduction <add>, %select_n3A_140, %reduce_sum3A_141 [1] : vector<1x128xf32> to vector<1xf32>
    %broadcast_in_dim3A_143 = vector.shape_cast %reduce_sum3A_142 : vector<1xf32> to vector<1x1xf32>
    %ge3A_144 = vector.broadcast %broadcast_in_dim3A_143 : vector<1x1xf32> to vector<1x128xf32>
    %ge3A_145 = arith.cmpf oge, %convert_element_type3A_94, %ge3A_144 : vector<1x128xf32>
    %convert_element_type3A_146 = arith.extui %ge3A_145 : vector<1x128xi1> to vector<1x128xi32>
    %add3A_147 = arith.addi %add3A_134, %convert_element_type3A_146 : vector<1x128xi32>
    %eq3A_148 = arith.constant 4 : i32
    %eq3A_149 = vector.broadcast %eq3A_148 : i32 to vector<1x128xi32>
    %eq3A_150 = arith.cmpi eq, %iota3A_90, %eq3A_149 : vector<1x128xi32>
    %jit3A_151 = arith.constant 0.000000e+00 : f32
    %broadcast_in_dim3A_152 = vector.broadcast %jit3A_151 : f32 to vector<1x128xf32>
    %select_n3A_153 = arith.select %eq3A_150, %mul3A_11, %broadcast_in_dim3A_152 : vector<1x128xi1>, vector<1x128xf32>
    %reduce_sum3A_154 = arith.constant dense<0.000000e+00> : vector<1xf32>
    %reduce_sum3A_155 = vector.multi_reduction <add>, %select_n3A_153, %reduce_sum3A_154 [1] : vector<1x128xf32> to vector<1xf32>
    %broadcast_in_dim3A_156 = vector.shape_cast %reduce_sum3A_155 : vector<1xf32> to vector<1x1xf32>
    %ge3A_157 = vector.broadcast %broadcast_in_dim3A_156 : vector<1x1xf32> to vector<1x128xf32>
    %ge3A_158 = arith.cmpf oge, %convert_element_type3A_94, %ge3A_157 : vector<1x128xf32>
    %convert_element_type3A_159 = arith.extui %ge3A_158 : vector<1x128xi1> to vector<1x128xi32>
    %add3A_160 = arith.addi %add3A_147, %convert_element_type3A_159 : vector<1x128xi32>
    %eq3A_161 = arith.constant 5 : i32
    %eq3A_162 = vector.broadcast %eq3A_161 : i32 to vector<1x128xi32>
    %eq3A_163 = arith.cmpi eq, %iota3A_90, %eq3A_162 : vector<1x128xi32>
    %jit3A_164 = arith.constant 0.000000e+00 : f32
    %broadcast_in_dim3A_165 = vector.broadcast %jit3A_164 : f32 to vector<1x128xf32>
    %select_n3A_166 = arith.select %eq3A_163, %mul3A_11, %broadcast_in_dim3A_165 : vector<1x128xi1>, vector<1x128xf32>
    %reduce_sum3A_167 = arith.constant dense<0.000000e+00> : vector<1xf32>
    %reduce_sum3A_168 = vector.multi_reduction <add>, %select_n3A_166, %reduce_sum3A_167 [1] : vector<1x128xf32> to vector<1xf32>
    %broadcast_in_dim3A_169 = vector.shape_cast %reduce_sum3A_168 : vector<1xf32> to vector<1x1xf32>
    %ge3A_170 = vector.broadcast %broadcast_in_dim3A_169 : vector<1x1xf32> to vector<1x128xf32>
    %ge3A_171 = arith.cmpf oge, %convert_element_type3A_94, %ge3A_170 : vector<1x128xf32>
    %convert_element_type3A_172 = arith.extui %ge3A_171 : vector<1x128xi1> to vector<1x128xi32>
    %add3A_173 = arith.addi %add3A_160, %convert_element_type3A_172 : vector<1x128xi32>
    %eq3A_174 = arith.constant 6 : i32
    %eq3A_175 = vector.broadcast %eq3A_174 : i32 to vector<1x128xi32>
    %eq3A_176 = arith.cmpi eq, %iota3A_90, %eq3A_175 : vector<1x128xi32>
    %jit3A_177 = arith.constant 0.000000e+00 : f32
    %broadcast_in_dim3A_178 = vector.broadcast %jit3A_177 : f32 to vector<1x128xf32>
    %select_n3A_179 = arith.select %eq3A_176, %mul3A_11, %broadcast_in_dim3A_178 : vector<1x128xi1>, vector<1x128xf32>
    %reduce_sum3A_180 = arith.constant dense<0.000000e+00> : vector<1xf32>
    %reduce_sum3A_181 = vector.multi_reduction <add>, %select_n3A_179, %reduce_sum3A_180 [1] : vector<1x128xf32> to vector<1xf32>
    %broadcast_in_dim3A_182 = vector.shape_cast %reduce_sum3A_181 : vector<1xf32> to vector<1x1xf32>
    %ge3A_183 = vector.broadcast %broadcast_in_dim3A_182 : vector<1x1xf32> to vector<1x128xf32>
    %ge3A_184 = arith.cmpf oge, %convert_element_type3A_94, %ge3A_183 : vector<1x128xf32>
    %convert_element_type3A_185 = arith.extui %ge3A_184 : vector<1x128xi1> to vector<1x128xi32>
    %add3A_186 = arith.addi %add3A_173, %convert_element_type3A_185 : vector<1x128xi32>
    %eq3A_187 = arith.constant 7 : i32
    %eq3A_188 = vector.broadcast %eq3A_187 : i32 to vector<1x128xi32>
    %eq3A_189 = arith.cmpi eq, %iota3A_90, %eq3A_188 : vector<1x128xi32>
    %jit3A_190 = arith.constant 0.000000e+00 : f32
    %broadcast_in_dim3A_191 = vector.broadcast %jit3A_190 : f32 to vector<1x128xf32>
    %select_n3A_192 = arith.select %eq3A_189, %mul3A_11, %broadcast_in_dim3A_191 : vector<1x128xi1>, vector<1x128xf32>
    %reduce_sum3A_193 = arith.constant dense<0.000000e+00> : vector<1xf32>
    %reduce_sum3A_194 = vector.multi_reduction <add>, %select_n3A_192, %reduce_sum3A_193 [1] : vector<1x128xf32> to vector<1xf32>
    %broadcast_in_dim3A_195 = vector.shape_cast %reduce_sum3A_194 : vector<1xf32> to vector<1x1xf32>
    %ge3A_196 = vector.broadcast %broadcast_in_dim3A_195 : vector<1x1xf32> to vector<1x128xf32>
    %ge3A_197 = arith.cmpf oge, %convert_element_type3A_94, %ge3A_196 : vector<1x128xf32>
    %convert_element_type3A_198 = arith.extui %ge3A_197 : vector<1x128xi1> to vector<1x128xi32>
    %add3A_199 = arith.addi %add3A_186, %convert_element_type3A_198 : vector<1x128xi32>
    %sub3A = arith.constant 1 : i32
    %sub3A_200 = vector.broadcast %sub3A : i32 to vector<1x128xi32>
    %sub3A_201 = arith.subi %add3A_199, %sub3A_200 : vector<1x128xi32>
    %jit3A_202 = arith.constant 0 : i32
    %jit3A_203 = arith.constant 7 : i32
    %max3A = vector.broadcast %jit3A_202 : i32 to vector<1x128xi32>
    %max3A_204 = arith.maxsi %max3A, %sub3A_201 : vector<1x128xi32>
    %min3A = vector.broadcast %jit3A_203 : i32 to vector<1x128xi32>
    %min3A_205 = arith.minsi %min3A, %max3A_204 : vector<1x128xi32>
    %swap3A_206 = arith.constant 0 : index
    %swap3A_207 = arith.constant 0 : index
    %swap3A_208 = vector.load %arg5[%swap3A_206, %swap3A_207] : memref<1x128xi32, #tpu.memory_space<vmem>>, vector<1x128xi32>
    tpu.vector_store %arg5[%swap3A_206, %swap3A_207], %min3A_205 {strides = array<i32>} : memref<1x128xi32, #tpu.memory_space<vmem>>, vector<1x128xi32>,
    return
  }
  func.func @transform_0(%arg0: i32) -> (i32, i32) {
    %c0_i32 = arith.constant 0 : i32
    %c0_i32_0 = arith.constant 0 : i32
    %c0_i32_1 = arith.constant 0 : i32
    return %c0_i32, %c0_i32_0 : i32, i32
  }
  func.func @transform_1(%arg0: i32) -> (i32, i32) {
    %c0_i32 = arith.constant 0 : i32
    %c0_i32_0 = arith.constant 0 : i32
    return %arg0, %c0_i32 : i32, i32
  }
  func.func @transform_2(%arg0: i32) -> (i32, i32) {
    %c0_i32 = arith.constant 0 : i32
    %c0_i32_0 = arith.constant 0 : i32
    return %arg0, %c0_i32 : i32, i32
  }
  func.func @transform_3(%arg0: i32) -> (i32, i32) {
    %c0_i32 = arith.constant 0 : i32
    %c0_i32_0 = arith.constant 0 : i32
    return %arg0, %c0_i32 : i32, i32
  }
  func.func @transform_4(%arg0: i32) -> (i32, i32) {
    %c0_i32 = arith.constant 0 : i32
    %c0_i32_0 = arith.constant 0 : i32
    %c0_i32_1 = arith.constant 0 : i32
    return %c0_i32, %c0_i32_0 : i32, i32
  }
}

module attributes {stable_mosaic.version = 14 : i64} {
  func.func @_srcbuild_kernel(%arg0: i32, %arg1: memref<4096x1xi32, #tpu.memory_space<vmem>>, %arg2: memref<1x1x512xi32, #tpu.memory_space<vmem>>) attributes {dimension_semantics = [#tpu.dimension_semantics<parallel>], iteration_bounds = array<i64: 10>, scalar_prefetch = 0 : i64, scratch_operands = 0 : i64, tpu.core_type = #tpu.core_type<tc>, window_params = [{pipeline_mode = #tpu.pipeline_mode<synchronous>, transform_indices = @transform_0, window_bounds = array<i64: 4096, 1>}, {transform_indices = @transform_1, window_bounds = array<i64: 1, 1, 512>}]} {
    %mul3A = arith.constant 512 : i32
    %mul3A_0 = arith.muli %arg0, %mul3A : i32
    %broadcast_in_dim3A = arith.constant 0 : i32
    %broadcast_in_dim3A_1 = vector.broadcast %broadcast_in_dim3A : i32 to vector<1x512xi32>
    %get3A = arith.constant 0 : index
    %get3A_2 = arith.constant 0 : index
    %get3A_3 = vector.load %arg1[%get3A, %get3A_2] : memref<4096x1xi32, #tpu.memory_space<vmem>>, vector<512x1xi32>
    %iota3A = tpu.iota {dimensions = array<i32: 1>} : vector<512x512xi32>
    %add3A = vector.broadcast %mul3A_0 : i32 to vector<512x512xi32>
    %add3A_4 = arith.addi %iota3A, %add3A : vector<512x512xi32>
    %iota3A_5 = tpu.iota {dimensions = array<i32: 0>} : vector<512x1xi32>
    %add3A_6 = arith.constant 0 : i32
    %add3A_7 = vector.broadcast %add3A_6 : i32 to vector<512x1xi32>
    %add3A_8 = arith.addi %iota3A_5, %add3A_7 : vector<512x1xi32>
    %shift_right_arithmetic3A = arith.constant 1 : i32
    %shift_right_arithmetic3A_9 = vector.broadcast %shift_right_arithmetic3A : i32 to vector<512x1xi32>
    %shift_right_arithmetic3A_10 = arith.shrsi %add3A_8, %shift_right_arithmetic3A_9 : vector<512x1xi32>
    %eq3A = vector.broadcast %get3A_3 : vector<512x1xi32> to vector<512x512xi32>
    %eq3A_11 = arith.cmpi eq, %eq3A, %add3A_4 : vector<512x512xi32>
    %jit3A = arith.constant 0 : i32
    %broadcast_in_dim3A_12 = vector.shape_cast %shift_right_arithmetic3A_10 : vector<512x1xi32> to vector<512x1xi32>
    %broadcast_in_dim3A_13 = vector.broadcast %broadcast_in_dim3A_12 : vector<512x1xi32> to vector<512x512xi32>
    %broadcast_in_dim3A_14 = vector.broadcast %jit3A : i32 to vector<512x512xi32>
    %select_n3A = arith.select %eq3A_11, %broadcast_in_dim3A_13, %broadcast_in_dim3A_14 : vector<512x512xi1>, vector<512x512xi32>
    %reduce_sum3A = arith.constant dense<0> : vector<512xi32>
    %reduce_sum3A_15 = vector.multi_reduction <add>, %select_n3A, %reduce_sum3A [0] : vector<512x512xi32> to vector<512xi32>
    %broadcast_in_dim3A_16 = vector.shape_cast %reduce_sum3A_15 : vector<512xi32> to vector<1x512xi32>
    %add3A_17 = arith.addi %broadcast_in_dim3A_1, %broadcast_in_dim3A_16 : vector<1x512xi32>
    %get3A_18 = arith.constant 512 : index
    %get3A_19 = arith.constant 0 : index
    %get3A_20 = vector.load %arg1[%get3A_18, %get3A_19] : memref<4096x1xi32, #tpu.memory_space<vmem>>, vector<512x1xi32>
    %iota3A_21 = tpu.iota {dimensions = array<i32: 1>} : vector<512x512xi32>
    %add3A_22 = vector.broadcast %mul3A_0 : i32 to vector<512x512xi32>
    %add3A_23 = arith.addi %iota3A_21, %add3A_22 : vector<512x512xi32>
    %iota3A_24 = tpu.iota {dimensions = array<i32: 0>} : vector<512x1xi32>
    %add3A_25 = arith.constant 512 : i32
    %add3A_26 = vector.broadcast %add3A_25 : i32 to vector<512x1xi32>
    %add3A_27 = arith.addi %iota3A_24, %add3A_26 : vector<512x1xi32>
    %shift_right_arithmetic3A_28 = arith.constant 1 : i32
    %shift_right_arithmetic3A_29 = vector.broadcast %shift_right_arithmetic3A_28 : i32 to vector<512x1xi32>
    %shift_right_arithmetic3A_30 = arith.shrsi %add3A_27, %shift_right_arithmetic3A_29 : vector<512x1xi32>
    %eq3A_31 = vector.broadcast %get3A_20 : vector<512x1xi32> to vector<512x512xi32>
    %eq3A_32 = arith.cmpi eq, %eq3A_31, %add3A_23 : vector<512x512xi32>
    %jit3A_33 = arith.constant 0 : i32
    %broadcast_in_dim3A_34 = vector.shape_cast %shift_right_arithmetic3A_30 : vector<512x1xi32> to vector<512x1xi32>
    %broadcast_in_dim3A_35 = vector.broadcast %broadcast_in_dim3A_34 : vector<512x1xi32> to vector<512x512xi32>
    %broadcast_in_dim3A_36 = vector.broadcast %jit3A_33 : i32 to vector<512x512xi32>
    %select_n3A_37 = arith.select %eq3A_32, %broadcast_in_dim3A_35, %broadcast_in_dim3A_36 : vector<512x512xi1>, vector<512x512xi32>
    %reduce_sum3A_38 = arith.constant dense<0> : vector<512xi32>
    %reduce_sum3A_39 = vector.multi_reduction <add>, %select_n3A_37, %reduce_sum3A_38 [0] : vector<512x512xi32> to vector<512xi32>
    %broadcast_in_dim3A_40 = vector.shape_cast %reduce_sum3A_39 : vector<512xi32> to vector<1x512xi32>
    %add3A_41 = arith.addi %add3A_17, %broadcast_in_dim3A_40 : vector<1x512xi32>
    %get3A_42 = arith.constant 1024 : index
    %get3A_43 = arith.constant 0 : index
    %get3A_44 = vector.load %arg1[%get3A_42, %get3A_43] : memref<4096x1xi32, #tpu.memory_space<vmem>>, vector<512x1xi32>
    %iota3A_45 = tpu.iota {dimensions = array<i32: 1>} : vector<512x512xi32>
    %add3A_46 = vector.broadcast %mul3A_0 : i32 to vector<512x512xi32>
    %add3A_47 = arith.addi %iota3A_45, %add3A_46 : vector<512x512xi32>
    %iota3A_48 = tpu.iota {dimensions = array<i32: 0>} : vector<512x1xi32>
    %add3A_49 = arith.constant 1024 : i32
    %add3A_50 = vector.broadcast %add3A_49 : i32 to vector<512x1xi32>
    %add3A_51 = arith.addi %iota3A_48, %add3A_50 : vector<512x1xi32>
    %shift_right_arithmetic3A_52 = arith.constant 1 : i32
    %shift_right_arithmetic3A_53 = vector.broadcast %shift_right_arithmetic3A_52 : i32 to vector<512x1xi32>
    %shift_right_arithmetic3A_54 = arith.shrsi %add3A_51, %shift_right_arithmetic3A_53 : vector<512x1xi32>
    %eq3A_55 = vector.broadcast %get3A_44 : vector<512x1xi32> to vector<512x512xi32>
    %eq3A_56 = arith.cmpi eq, %eq3A_55, %add3A_47 : vector<512x512xi32>
    %jit3A_57 = arith.constant 0 : i32
    %broadcast_in_dim3A_58 = vector.shape_cast %shift_right_arithmetic3A_54 : vector<512x1xi32> to vector<512x1xi32>
    %broadcast_in_dim3A_59 = vector.broadcast %broadcast_in_dim3A_58 : vector<512x1xi32> to vector<512x512xi32>
    %broadcast_in_dim3A_60 = vector.broadcast %jit3A_57 : i32 to vector<512x512xi32>
    %select_n3A_61 = arith.select %eq3A_56, %broadcast_in_dim3A_59, %broadcast_in_dim3A_60 : vector<512x512xi1>, vector<512x512xi32>
    %reduce_sum3A_62 = arith.constant dense<0> : vector<512xi32>
    %reduce_sum3A_63 = vector.multi_reduction <add>, %select_n3A_61, %reduce_sum3A_62 [0] : vector<512x512xi32> to vector<512xi32>
    %broadcast_in_dim3A_64 = vector.shape_cast %reduce_sum3A_63 : vector<512xi32> to vector<1x512xi32>
    %add3A_65 = arith.addi %add3A_41, %broadcast_in_dim3A_64 : vector<1x512xi32>
    %get3A_66 = arith.constant 1536 : index
    %get3A_67 = arith.constant 0 : index
    %get3A_68 = vector.load %arg1[%get3A_66, %get3A_67] : memref<4096x1xi32, #tpu.memory_space<vmem>>, vector<512x1xi32>
    %iota3A_69 = tpu.iota {dimensions = array<i32: 1>} : vector<512x512xi32>
    %add3A_70 = vector.broadcast %mul3A_0 : i32 to vector<512x512xi32>
    %add3A_71 = arith.addi %iota3A_69, %add3A_70 : vector<512x512xi32>
    %iota3A_72 = tpu.iota {dimensions = array<i32: 0>} : vector<512x1xi32>
    %add3A_73 = arith.constant 1536 : i32
    %add3A_74 = vector.broadcast %add3A_73 : i32 to vector<512x1xi32>
    %add3A_75 = arith.addi %iota3A_72, %add3A_74 : vector<512x1xi32>
    %shift_right_arithmetic3A_76 = arith.constant 1 : i32
    %shift_right_arithmetic3A_77 = vector.broadcast %shift_right_arithmetic3A_76 : i32 to vector<512x1xi32>
    %shift_right_arithmetic3A_78 = arith.shrsi %add3A_75, %shift_right_arithmetic3A_77 : vector<512x1xi32>
    %eq3A_79 = vector.broadcast %get3A_68 : vector<512x1xi32> to vector<512x512xi32>
    %eq3A_80 = arith.cmpi eq, %eq3A_79, %add3A_71 : vector<512x512xi32>
    %jit3A_81 = arith.constant 0 : i32
    %broadcast_in_dim3A_82 = vector.shape_cast %shift_right_arithmetic3A_78 : vector<512x1xi32> to vector<512x1xi32>
    %broadcast_in_dim3A_83 = vector.broadcast %broadcast_in_dim3A_82 : vector<512x1xi32> to vector<512x512xi32>
    %broadcast_in_dim3A_84 = vector.broadcast %jit3A_81 : i32 to vector<512x512xi32>
    %select_n3A_85 = arith.select %eq3A_80, %broadcast_in_dim3A_83, %broadcast_in_dim3A_84 : vector<512x512xi1>, vector<512x512xi32>
    %reduce_sum3A_86 = arith.constant dense<0> : vector<512xi32>
    %reduce_sum3A_87 = vector.multi_reduction <add>, %select_n3A_85, %reduce_sum3A_86 [0] : vector<512x512xi32> to vector<512xi32>
    %broadcast_in_dim3A_88 = vector.shape_cast %reduce_sum3A_87 : vector<512xi32> to vector<1x512xi32>
    %add3A_89 = arith.addi %add3A_65, %broadcast_in_dim3A_88 : vector<1x512xi32>
    %get3A_90 = arith.constant 2048 : index
    %get3A_91 = arith.constant 0 : index
    %get3A_92 = vector.load %arg1[%get3A_90, %get3A_91] : memref<4096x1xi32, #tpu.memory_space<vmem>>, vector<512x1xi32>
    %iota3A_93 = tpu.iota {dimensions = array<i32: 1>} : vector<512x512xi32>
    %add3A_94 = vector.broadcast %mul3A_0 : i32 to vector<512x512xi32>
    %add3A_95 = arith.addi %iota3A_93, %add3A_94 : vector<512x512xi32>
    %iota3A_96 = tpu.iota {dimensions = array<i32: 0>} : vector<512x1xi32>
    %add3A_97 = arith.constant 2048 : i32
    %add3A_98 = vector.broadcast %add3A_97 : i32 to vector<512x1xi32>
    %add3A_99 = arith.addi %iota3A_96, %add3A_98 : vector<512x1xi32>
    %shift_right_arithmetic3A_100 = arith.constant 1 : i32
    %shift_right_arithmetic3A_101 = vector.broadcast %shift_right_arithmetic3A_100 : i32 to vector<512x1xi32>
    %shift_right_arithmetic3A_102 = arith.shrsi %add3A_99, %shift_right_arithmetic3A_101 : vector<512x1xi32>
    %eq3A_103 = vector.broadcast %get3A_92 : vector<512x1xi32> to vector<512x512xi32>
    %eq3A_104 = arith.cmpi eq, %eq3A_103, %add3A_95 : vector<512x512xi32>
    %jit3A_105 = arith.constant 0 : i32
    %broadcast_in_dim3A_106 = vector.shape_cast %shift_right_arithmetic3A_102 : vector<512x1xi32> to vector<512x1xi32>
    %broadcast_in_dim3A_107 = vector.broadcast %broadcast_in_dim3A_106 : vector<512x1xi32> to vector<512x512xi32>
    %broadcast_in_dim3A_108 = vector.broadcast %jit3A_105 : i32 to vector<512x512xi32>
    %select_n3A_109 = arith.select %eq3A_104, %broadcast_in_dim3A_107, %broadcast_in_dim3A_108 : vector<512x512xi1>, vector<512x512xi32>
    %reduce_sum3A_110 = arith.constant dense<0> : vector<512xi32>
    %reduce_sum3A_111 = vector.multi_reduction <add>, %select_n3A_109, %reduce_sum3A_110 [0] : vector<512x512xi32> to vector<512xi32>
    %broadcast_in_dim3A_112 = vector.shape_cast %reduce_sum3A_111 : vector<512xi32> to vector<1x512xi32>
    %add3A_113 = arith.addi %add3A_89, %broadcast_in_dim3A_112 : vector<1x512xi32>
    %get3A_114 = arith.constant 2560 : index
    %get3A_115 = arith.constant 0 : index
    %get3A_116 = vector.load %arg1[%get3A_114, %get3A_115] : memref<4096x1xi32, #tpu.memory_space<vmem>>, vector<512x1xi32>
    %iota3A_117 = tpu.iota {dimensions = array<i32: 1>} : vector<512x512xi32>
    %add3A_118 = vector.broadcast %mul3A_0 : i32 to vector<512x512xi32>
    %add3A_119 = arith.addi %iota3A_117, %add3A_118 : vector<512x512xi32>
    %iota3A_120 = tpu.iota {dimensions = array<i32: 0>} : vector<512x1xi32>
    %add3A_121 = arith.constant 2560 : i32
    %add3A_122 = vector.broadcast %add3A_121 : i32 to vector<512x1xi32>
    %add3A_123 = arith.addi %iota3A_120, %add3A_122 : vector<512x1xi32>
    %shift_right_arithmetic3A_124 = arith.constant 1 : i32
    %shift_right_arithmetic3A_125 = vector.broadcast %shift_right_arithmetic3A_124 : i32 to vector<512x1xi32>
    %shift_right_arithmetic3A_126 = arith.shrsi %add3A_123, %shift_right_arithmetic3A_125 : vector<512x1xi32>
    %eq3A_127 = vector.broadcast %get3A_116 : vector<512x1xi32> to vector<512x512xi32>
    %eq3A_128 = arith.cmpi eq, %eq3A_127, %add3A_119 : vector<512x512xi32>
    %jit3A_129 = arith.constant 0 : i32
    %broadcast_in_dim3A_130 = vector.shape_cast %shift_right_arithmetic3A_126 : vector<512x1xi32> to vector<512x1xi32>
    %broadcast_in_dim3A_131 = vector.broadcast %broadcast_in_dim3A_130 : vector<512x1xi32> to vector<512x512xi32>
    %broadcast_in_dim3A_132 = vector.broadcast %jit3A_129 : i32 to vector<512x512xi32>
    %select_n3A_133 = arith.select %eq3A_128, %broadcast_in_dim3A_131, %broadcast_in_dim3A_132 : vector<512x512xi1>, vector<512x512xi32>
    %reduce_sum3A_134 = arith.constant dense<0> : vector<512xi32>
    %reduce_sum3A_135 = vector.multi_reduction <add>, %select_n3A_133, %reduce_sum3A_134 [0] : vector<512x512xi32> to vector<512xi32>
    %broadcast_in_dim3A_136 = vector.shape_cast %reduce_sum3A_135 : vector<512xi32> to vector<1x512xi32>
    %add3A_137 = arith.addi %add3A_113, %broadcast_in_dim3A_136 : vector<1x512xi32>
    %get3A_138 = arith.constant 3072 : index
    %get3A_139 = arith.constant 0 : index
    %get3A_140 = vector.load %arg1[%get3A_138, %get3A_139] : memref<4096x1xi32, #tpu.memory_space<vmem>>, vector<512x1xi32>
    %iota3A_141 = tpu.iota {dimensions = array<i32: 1>} : vector<512x512xi32>
    %add3A_142 = vector.broadcast %mul3A_0 : i32 to vector<512x512xi32>
    %add3A_143 = arith.addi %iota3A_141, %add3A_142 : vector<512x512xi32>
    %iota3A_144 = tpu.iota {dimensions = array<i32: 0>} : vector<512x1xi32>
    %add3A_145 = arith.constant 3072 : i32
    %add3A_146 = vector.broadcast %add3A_145 : i32 to vector<512x1xi32>
    %add3A_147 = arith.addi %iota3A_144, %add3A_146 : vector<512x1xi32>
    %shift_right_arithmetic3A_148 = arith.constant 1 : i32
    %shift_right_arithmetic3A_149 = vector.broadcast %shift_right_arithmetic3A_148 : i32 to vector<512x1xi32>
    %shift_right_arithmetic3A_150 = arith.shrsi %add3A_147, %shift_right_arithmetic3A_149 : vector<512x1xi32>
    %eq3A_151 = vector.broadcast %get3A_140 : vector<512x1xi32> to vector<512x512xi32>
    %eq3A_152 = arith.cmpi eq, %eq3A_151, %add3A_143 : vector<512x512xi32>
    %jit3A_153 = arith.constant 0 : i32
    %broadcast_in_dim3A_154 = vector.shape_cast %shift_right_arithmetic3A_150 : vector<512x1xi32> to vector<512x1xi32>
    %broadcast_in_dim3A_155 = vector.broadcast %broadcast_in_dim3A_154 : vector<512x1xi32> to vector<512x512xi32>
    %broadcast_in_dim3A_156 = vector.broadcast %jit3A_153 : i32 to vector<512x512xi32>
    %select_n3A_157 = arith.select %eq3A_152, %broadcast_in_dim3A_155, %broadcast_in_dim3A_156 : vector<512x512xi1>, vector<512x512xi32>
    %reduce_sum3A_158 = arith.constant dense<0> : vector<512xi32>
    %reduce_sum3A_159 = vector.multi_reduction <add>, %select_n3A_157, %reduce_sum3A_158 [0] : vector<512x512xi32> to vector<512xi32>
    %broadcast_in_dim3A_160 = vector.shape_cast %reduce_sum3A_159 : vector<512xi32> to vector<1x512xi32>
    %add3A_161 = arith.addi %add3A_137, %broadcast_in_dim3A_160 : vector<1x512xi32>
    %get3A_162 = arith.constant 3584 : index
    %get3A_163 = arith.constant 0 : index
    %get3A_164 = vector.load %arg1[%get3A_162, %get3A_163] : memref<4096x1xi32, #tpu.memory_space<vmem>>, vector<512x1xi32>
    %iota3A_165 = tpu.iota {dimensions = array<i32: 1>} : vector<512x512xi32>
    %add3A_166 = vector.broadcast %mul3A_0 : i32 to vector<512x512xi32>
    %add3A_167 = arith.addi %iota3A_165, %add3A_166 : vector<512x512xi32>
    %iota3A_168 = tpu.iota {dimensions = array<i32: 0>} : vector<512x1xi32>
    %add3A_169 = arith.constant 3584 : i32
    %add3A_170 = vector.broadcast %add3A_169 : i32 to vector<512x1xi32>
    %add3A_171 = arith.addi %iota3A_168, %add3A_170 : vector<512x1xi32>
    %shift_right_arithmetic3A_172 = arith.constant 1 : i32
    %shift_right_arithmetic3A_173 = vector.broadcast %shift_right_arithmetic3A_172 : i32 to vector<512x1xi32>
    %shift_right_arithmetic3A_174 = arith.shrsi %add3A_171, %shift_right_arithmetic3A_173 : vector<512x1xi32>
    %eq3A_175 = vector.broadcast %get3A_164 : vector<512x1xi32> to vector<512x512xi32>
    %eq3A_176 = arith.cmpi eq, %eq3A_175, %add3A_167 : vector<512x512xi32>
    %jit3A_177 = arith.constant 0 : i32
    %broadcast_in_dim3A_178 = vector.shape_cast %shift_right_arithmetic3A_174 : vector<512x1xi32> to vector<512x1xi32>
    %broadcast_in_dim3A_179 = vector.broadcast %broadcast_in_dim3A_178 : vector<512x1xi32> to vector<512x512xi32>
    %broadcast_in_dim3A_180 = vector.broadcast %jit3A_177 : i32 to vector<512x512xi32>
    %select_n3A_181 = arith.select %eq3A_176, %broadcast_in_dim3A_179, %broadcast_in_dim3A_180 : vector<512x512xi1>, vector<512x512xi32>
    %reduce_sum3A_182 = arith.constant dense<0> : vector<512xi32>
    %reduce_sum3A_183 = vector.multi_reduction <add>, %select_n3A_181, %reduce_sum3A_182 [0] : vector<512x512xi32> to vector<512xi32>
    %broadcast_in_dim3A_184 = vector.shape_cast %reduce_sum3A_183 : vector<512xi32> to vector<1x512xi32>
    %add3A_185 = arith.addi %add3A_161, %broadcast_in_dim3A_184 : vector<1x512xi32>
    %swap3A = arith.constant 0 : index
    %swap3A_186 = arith.constant 0 : index
    %swap3A_187 = arith.constant 0 : index
    %swap3A_188 = vector.load %arg2[%swap3A, %swap3A_186, %swap3A_187] : memref<1x1x512xi32, #tpu.memory_space<vmem>>, vector<1x1x512xi32>
    %swap3A_189 = vector.shape_cast %swap3A_188 : vector<1x1x512xi32> to vector<1x512xi32>
    %swap3A_190 = vector.shape_cast %add3A_185 : vector<1x512xi32> to vector<1x1x512xi32>
    tpu.vector_store %arg2[%swap3A, %swap3A_186, %swap3A_187], %swap3A_190 {strides = array<i32>} : memref<1x1x512xi32, #tpu.memory_space<vmem>>, vector<1x1x512xi32>,
    return
  }
  func.func @transform_0(%arg0: i32) -> (i32, i32) {
    %c0_i32 = arith.constant 0 : i32
    %c0_i32_0 = arith.constant 0 : i32
    %c0_i32_1 = arith.constant 0 : i32
    return %c0_i32, %c0_i32_0 : i32, i32
  }
  func.func @transform_1(%arg0: i32) -> (i32, i32, i32) {
    %c0_i32 = arith.constant 0 : i32
    %c0_i32_0 = arith.constant 0 : i32
    %c0_i32_1 = arith.constant 0 : i32
    return %arg0, %c0_i32, %c0_i32_0 : i32, i32, i32
  }
}

module attributes {stable_mosaic.version = 14 : i64} {
  func.func @_ffn_kernel(%arg0: i32, %arg1: memref<40xi32, #tpu.memory_space<smem>>, %arg2: memref<128x768xf32, #tpu.memory_space<vmem>>, %arg3: memref<1x768x3072xbf16, #tpu.memory_space<vmem>>, %arg4: memref<1x1x3072xf32, #tpu.memory_space<vmem>>, %arg5: memref<1x3072x768xbf16, #tpu.memory_space<vmem>>, %arg6: memref<1x1x768xf32, #tpu.memory_space<vmem>>, %arg7: memref<128x768xf32, #tpu.memory_space<vmem>>) attributes {dimension_semantics = [#tpu.dimension_semantics<arbitrary>], iteration_bounds = array<i64: 40>, scalar_prefetch = 1 : i64, scratch_operands = 0 : i64, tpu.core_type = #tpu.core_type<tc>, window_params = [{transform_indices = @transform_0, window_bounds = array<i64: 128, 768>}, {transform_indices = @transform_1, window_bounds = array<i64: 1, 768, 3072>}, {transform_indices = @transform_2, window_bounds = array<i64: 1, 1, 3072>}, {transform_indices = @transform_3, window_bounds = array<i64: 1, 3072, 768>}, {transform_indices = @transform_4, window_bounds = array<i64: 1, 1, 768>}, {transform_indices = @transform_5, window_bounds = array<i64: 128, 768>}]} {
    %get3A = arith.constant 0 : index
    %get3A_0 = arith.constant 0 : index
    %get3A_1 = vector.load %arg2[%get3A, %get3A_0] : memref<128x768xf32, #tpu.memory_space<vmem>>, vector<128x768xf32>
    %convert_element_type3A = arith.truncf %get3A_1 : vector<128x768xf32> to vector<128x768xbf16>
    %get3A_2 = arith.constant 0 : index
    %get3A_3 = arith.constant 0 : index
    %get3A_4 = arith.constant 0 : index
    %get3A_5 = vector.load %arg3[%get3A_2, %get3A_3, %get3A_4] : memref<1x768x3072xbf16, #tpu.memory_space<vmem>>, vector<1x768x3072xbf16>
    %get3A_6 = vector.shape_cast %get3A_5 : vector<1x768x3072xbf16> to vector<768x3072xbf16>
    %dot_general3A = arith.constant dense<0.000000e+00> : vector<128x3072xf32>
    %dot_general3A_7 = tpu.matmul %convert_element_type3A, %get3A_6, %dot_general3A {dimension_numbers = #tpu.dot_dimension_numbers<[1], [0], [0], [1], [0, 0, 1, 1], [], []>, transpose_lhs_hint = false} : vector<128x768xbf16>, vector<768x3072xbf16>, vector<128x3072xf32> -> vector<128x3072xf32>
    %get3A_8 = arith.constant 0 : index
    %get3A_9 = arith.constant 0 : index
    %get3A_10 = arith.constant 0 : index
    %get3A_11 = vector.load %arg4[%get3A_8, %get3A_9, %get3A_10] : memref<1x1x3072xf32, #tpu.memory_space<vmem>>, vector<1x1x3072xf32>
    %get3A_12 = vector.shape_cast %get3A_11 : vector<1x1x3072xf32> to vector<1x3072xf32>
    %add3A = vector.broadcast %get3A_12 : vector<1x3072xf32> to vector<128x3072xf32>
    %add3A_13 = arith.addf %dot_general3A_7, %add3A : vector<128x3072xf32>
    %integer_pow3A = arith.mulf %add3A_13, %add3A_13 : vector<128x3072xf32>
    %integer_pow3A_14 = arith.mulf %add3A_13, %integer_pow3A : vector<128x3072xf32>
    %mul3A = arith.constant 4.471500e-02 : f32
    %mul3A_15 = vector.broadcast %mul3A : f32 to vector<128x3072xf32>
    %mul3A_16 = arith.mulf %mul3A_15, %integer_pow3A_14 : vector<128x3072xf32>
    %add3A_17 = arith.addf %add3A_13, %mul3A_16 : vector<128x3072xf32>
    %mul3A_18 = arith.constant 0.797884583 : f32
    %mul3A_19 = vector.broadcast %mul3A_18 : f32 to vector<128x3072xf32>
    %mul3A_20 = arith.mulf %mul3A_19, %add3A_17 : vector<128x3072xf32>
    %tanh3A = math.tanh %mul3A_20 : vector<128x3072xf32>
    %add3A_21 = arith.constant 1.000000e+00 : f32
    %add3A_22 = vector.broadcast %add3A_21 : f32 to vector<128x3072xf32>
    %add3A_23 = arith.addf %add3A_22, %tanh3A : vector<128x3072xf32>
    %mul3A_24 = arith.constant 5.000000e-01 : f32
    %mul3A_25 = vector.broadcast %mul3A_24 : f32 to vector<128x3072xf32>
    %mul3A_26 = arith.mulf %mul3A_25, %add3A_23 : vector<128x3072xf32>
    %mul3A_27 = arith.mulf %add3A_13, %mul3A_26 : vector<128x3072xf32>
    %convert_element_type3A_28 = arith.truncf %mul3A_27 : vector<128x3072xf32> to vector<128x3072xbf16>
    %get3A_29 = arith.constant 0 : index
    %get3A_30 = arith.constant 0 : index
    %get3A_31 = arith.constant 0 : index
    %get3A_32 = vector.load %arg5[%get3A_29, %get3A_30, %get3A_31] : memref<1x3072x768xbf16, #tpu.memory_space<vmem>>, vector<1x3072x768xbf16>
    %get3A_33 = vector.shape_cast %get3A_32 : vector<1x3072x768xbf16> to vector<3072x768xbf16>
    %dot_general3A_34 = arith.constant dense<0.000000e+00> : vector<128x768xf32>
    %dot_general3A_35 = tpu.matmul %convert_element_type3A_28, %get3A_33, %dot_general3A_34 {dimension_numbers = #tpu.dot_dimension_numbers<[1], [0], [0], [1], [0, 0, 1, 1], [], []>, transpose_lhs_hint = false} : vector<128x3072xbf16>, vector<3072x768xbf16>, vector<128x768xf32> -> vector<128x768xf32>
    %get3A_36 = arith.constant 0 : index
    %get3A_37 = arith.constant 0 : index
    %get3A_38 = arith.constant 0 : index
    %get3A_39 = vector.load %arg6[%get3A_36, %get3A_37, %get3A_38] : memref<1x1x768xf32, #tpu.memory_space<vmem>>, vector<1x1x768xf32>
    %get3A_40 = vector.shape_cast %get3A_39 : vector<1x1x768xf32> to vector<1x768xf32>
    %add3A_41 = vector.broadcast %get3A_40 : vector<1x768xf32> to vector<128x768xf32>
    %add3A_42 = arith.addf %dot_general3A_35, %add3A_41 : vector<128x768xf32>
    %swap3A = arith.constant 0 : index
    %swap3A_43 = arith.constant 0 : index
    %swap3A_44 = vector.load %arg7[%swap3A, %swap3A_43] : memref<128x768xf32, #tpu.memory_space<vmem>>, vector<128x768xf32>
    tpu.vector_store %arg7[%swap3A, %swap3A_43], %add3A_42 {strides = array<i32>} : memref<128x768xf32, #tpu.memory_space<vmem>>, vector<128x768xf32>,
    return
  }
  func.func @transform_0(%arg0: i32, %arg1: memref<40xi32, #tpu.memory_space<smem>>) -> (i32, i32) {
    %c0_i32 = arith.constant 0 : i32
    %c0_i32_0 = arith.constant 0 : i32
    return %arg0, %c0_i32 : i32, i32
  }
  func.func @transform_1(%arg0: i32, %arg1: memref<40xi32, #tpu.memory_space<smem>>) -> (i32, i32, i32) {
    %get3A = arith.index_cast %arg0 : i32 to index
    %get3A_0 = memref.load %arg1[%get3A] : memref<40xi32, #tpu.memory_space<smem>>
    %c0_i32 = arith.constant 0 : i32
    %c0_i32_1 = arith.constant 0 : i32
    %c0_i32_2 = arith.constant 0 : i32
    return %get3A_0, %c0_i32, %c0_i32_1 : i32, i32, i32
  }
  func.func @transform_2(%arg0: i32, %arg1: memref<40xi32, #tpu.memory_space<smem>>) -> (i32, i32, i32) {
    %get3A = arith.index_cast %arg0 : i32 to index
    %get3A_0 = memref.load %arg1[%get3A] : memref<40xi32, #tpu.memory_space<smem>>
    %c0_i32 = arith.constant 0 : i32
    %c0_i32_1 = arith.constant 0 : i32
    %c0_i32_2 = arith.constant 0 : i32
    return %get3A_0, %c0_i32, %c0_i32_1 : i32, i32, i32
  }
  func.func @transform_3(%arg0: i32, %arg1: memref<40xi32, #tpu.memory_space<smem>>) -> (i32, i32, i32) {
    %get3A = arith.index_cast %arg0 : i32 to index
    %get3A_0 = memref.load %arg1[%get3A] : memref<40xi32, #tpu.memory_space<smem>>
    %c0_i32 = arith.constant 0 : i32
    %c0_i32_1 = arith.constant 0 : i32
    %c0_i32_2 = arith.constant 0 : i32
    return %get3A_0, %c0_i32, %c0_i32_1 : i32, i32, i32
  }
  func.func @transform_4(%arg0: i32, %arg1: memref<40xi32, #tpu.memory_space<smem>>) -> (i32, i32, i32) {
    %get3A = arith.index_cast %arg0 : i32 to index
    %get3A_0 = memref.load %arg1[%get3A] : memref<40xi32, #tpu.memory_space<smem>>
    %c0_i32 = arith.constant 0 : i32
    %c0_i32_1 = arith.constant 0 : i32
    %c0_i32_2 = arith.constant 0 : i32
    return %get3A_0, %c0_i32, %c0_i32_1 : i32, i32, i32
  }
  func.func @transform_5(%arg0: i32, %arg1: memref<40xi32, #tpu.memory_space<smem>>) -> (i32, i32) {
    %c0_i32 = arith.constant 0 : i32
    %c0_i32_0 = arith.constant 0 : i32
    return %arg0, %c0_i32 : i32, i32
  }
}

module attributes {stable_mosaic.version = 14 : i64} {
  func.func @_combine_kernel(%arg0: i32, %arg1: memref<256x768xf32, #tpu.memory_space<vmem>>, %arg2: memref<256x128xf32, #tpu.memory_space<vmem>>, %arg3: memref<256x768xf32, #tpu.memory_space<vmem>>, %arg4: memref<256x768xf32, #tpu.memory_space<vmem>>, %arg5: memref<256x768xf32, #tpu.memory_space<vmem>>) attributes {dimension_semantics = [#tpu.dimension_semantics<parallel>], iteration_bounds = array<i64: 8>, scalar_prefetch = 0 : i64, scratch_operands = 0 : i64, tpu.core_type = #tpu.core_type<tc>, window_params = [{transform_indices = @transform_0, window_bounds = array<i64: 256, 768>}, {transform_indices = @transform_1, window_bounds = array<i64: 256, 128>}, {transform_indices = @transform_2, window_bounds = array<i64: 256, 768>}, {transform_indices = @transform_3, window_bounds = array<i64: 256, 768>}, {transform_indices = @transform_4, window_bounds = array<i64: 256, 768>}]} {
    %get3A = arith.constant 0 : index
    %get3A_0 = arith.constant 0 : index
    %get3A_1 = vector.load %arg2[%get3A, %get3A_0] : memref<256x128xf32, #tpu.memory_space<vmem>>, vector<256x128xf32>
    %iota3A = tpu.iota {dimensions = array<i32: 1>} : vector<256x128xi32>
    %eq3A = arith.constant 0 : i32
    %eq3A_2 = vector.broadcast %eq3A : i32 to vector<256x128xi32>
    %eq3A_3 = arith.cmpi eq, %iota3A, %eq3A_2 : vector<256x128xi32>
    %jit3A = arith.constant 0.000000e+00 : f32
    %broadcast_in_dim3A = vector.broadcast %jit3A : f32 to vector<256x128xf32>
    %select_n3A = arith.select %eq3A_3, %get3A_1, %broadcast_in_dim3A : vector<256x128xi1>, vector<256x128xf32>
    %reduce_sum3A = arith.constant dense<0.000000e+00> : vector<256xf32>
    %reduce_sum3A_4 = vector.multi_reduction <add>, %select_n3A, %reduce_sum3A [1] : vector<256x128xf32> to vector<256xf32>
    %broadcast_in_dim3A_5 = vector.shape_cast %reduce_sum3A_4 : vector<256xf32> to vector<256x1xf32>
    %eq3A_6 = arith.constant 1 : i32
    %eq3A_7 = vector.broadcast %eq3A_6 : i32 to vector<256x128xi32>
    %eq3A_8 = arith.cmpi eq, %iota3A, %eq3A_7 : vector<256x128xi32>
    %jit3A_9 = arith.constant 0.000000e+00 : f32
    %broadcast_in_dim3A_10 = vector.broadcast %jit3A_9 : f32 to vector<256x128xf32>
    %select_n3A_11 = arith.select %eq3A_8, %get3A_1, %broadcast_in_dim3A_10 : vector<256x128xi1>, vector<256x128xf32>
    %reduce_sum3A_12 = arith.constant dense<0.000000e+00> : vector<256xf32>
    %reduce_sum3A_13 = vector.multi_reduction <add>, %select_n3A_11, %reduce_sum3A_12 [1] : vector<256x128xf32> to vector<256xf32>
    %broadcast_in_dim3A_14 = vector.shape_cast %reduce_sum3A_13 : vector<256xf32> to vector<256x1xf32>
    %get3A_15 = arith.constant 0 : index
    %get3A_16 = arith.constant 0 : index
    %get3A_17 = vector.load %arg1[%get3A_15, %get3A_16] : memref<256x768xf32, #tpu.memory_space<vmem>>, vector<256x768xf32>
    %get3A_18 = arith.constant 0 : index
    %get3A_19 = arith.constant 0 : index
    %get3A_20 = vector.load %arg3[%get3A_18, %get3A_19] : memref<256x768xf32, #tpu.memory_space<vmem>>, vector<256x768xf32>
    %mul3A = vector.broadcast %broadcast_in_dim3A_5 : vector<256x1xf32> to vector<256x768xf32>
    %mul3A_21 = arith.mulf %mul3A, %get3A_20 : vector<256x768xf32>
    %add3A = arith.addf %get3A_17, %mul3A_21 : vector<256x768xf32>
    %get3A_22 = arith.constant 0 : index
    %get3A_23 = arith.constant 0 : index
    %get3A_24 = vector.load %arg4[%get3A_22, %get3A_23] : memref<256x768xf32, #tpu.memory_space<vmem>>, vector<256x768xf32>
    %mul3A_25 = vector.broadcast %broadcast_in_dim3A_14 : vector<256x1xf32> to vector<256x768xf32>
    %mul3A_26 = arith.mulf %mul3A_25, %get3A_24 : vector<256x768xf32>
    %add3A_27 = arith.addf %add3A, %mul3A_26 : vector<256x768xf32>
    %swap3A = arith.constant 0 : index
    %swap3A_28 = arith.constant 0 : index
    %swap3A_29 = vector.load %arg5[%swap3A, %swap3A_28] : memref<256x768xf32, #tpu.memory_space<vmem>>, vector<256x768xf32>
    tpu.vector_store %arg5[%swap3A, %swap3A_28], %add3A_27 {strides = array<i32>} : memref<256x768xf32, #tpu.memory_space<vmem>>, vector<256x768xf32>,
    return
  }
  func.func @transform_0(%arg0: i32) -> (i32, i32) {
    %c0_i32 = arith.constant 0 : i32
    %c0_i32_0 = arith.constant 0 : i32
    return %arg0, %c0_i32 : i32, i32
  }
  func.func @transform_1(%arg0: i32) -> (i32, i32) {
    %c0_i32 = arith.constant 0 : i32
    %c0_i32_0 = arith.constant 0 : i32
    return %arg0, %c0_i32 : i32, i32
  }
  func.func @transform_2(%arg0: i32) -> (i32, i32) {
    %c0_i32 = arith.constant 0 : i32
    %c0_i32_0 = arith.constant 0 : i32
    return %arg0, %c0_i32 : i32, i32
  }
  func.func @transform_3(%arg0: i32) -> (i32, i32) {
    %c0_i32 = arith.constant 0 : i32
    %c0_i32_0 = arith.constant 0 : i32
    return %arg0, %c0_i32 : i32, i32
  }
  func.func @transform_4(%arg0: i32) -> (i32, i32) {
    %c0_i32 = arith.constant 0 : i32
    %c0_i32_0 = arith.constant 0 : i32
    return %arg0, %c0_i32 : i32, i32
  }
}

</mosaic_0001>

<sc_bundles>
// kernel: kernel.12.cloned.1.call-start
scs
__scs_entry_jumppad:
0x0: {  	(pc) =	sbr.rel $0x88, $3  }
0x1: {  	(tag) =	ssettag $0x0;
	lr =	simm.s32 $0x1  }
0x2: {  	[smem:$0x3F90] =	sst lr;
	_ =	strace $0xD0000000  }
0x3: {  	_ = 	snop  }
0x4: {  	_ = 	snop  }
0x5: {  	_ = 	snop  }
0x6: {  	_ = 	snop  }
0x7: {  	_ = 	snop  }
__scs_overlays_trampoline_lowered:
0x8: {  	[smem:$0x3F9F] =	sst s0  }
0x9: {  	[smem:$0x3FA0] =	sst s1  }
0xa: {  	[smem:$0x3FA1] =	sst s2  }
0xb: {  	[smem:$0x3FA2] =	sst s3  }
0xc: {  	[smem:$0x3FA3] =	sst s4  }
0xd: {  	[smem:$0x3FA4] =	sst s5  }
0xe: {  	[smem:$0x3FA5] =	sst s6  }
0xf: {  	[smem:$0x3FA6] =	sst s7  }
0x10: {  	[smem:$0x3FA7] =	sst s8  }
0x11: {  	[smem:$0x3FA8] =	sst s9;
	s0 =	simm.s32 @!p0 $0x0  }
0x12: {  	s1 =	sld [smem:$0x3F8E];
	s0 =	simm.s32 @p0 $0x1  }
0x13: {  	[smem:$0x3FA9] =	sst s0;
	s0 =	simm.s32 @!p1 $0x0  }
0x14: {  	s2 =	sld [smem:$0x3F8D];
	s0 =	simm.s32 @p1 $0x1  }
0x15: {  	[smem:$0x3FAA] =	sst s0;
	s0 =	simm.s32 @!p2 $0x0  }
0x16: {  	s3 =	sld [smem:$0x3FDB];
	s0 =	simm.s32 @p2 $0x1  }
0x17: {  	s4 =	simm.s32 $0x1BF5;
	[smem:$0x3FAC] =	sst s0  }
0x18: {  	s0 =	sld [smem:$0x3F8F];
	_ =	swait.ge [sflag:s4], $0x0  }
0x19: {  	s7 =	sld [smem:$0x3F90]  }
0x1a: {  	s8 =	sadd.s32 $0xFFFFE003, lr  }
0x1b: {  	s9 =	sadd.s32 $0xFFFFFEF7, lr;
	s5 =	simm.s32 $0xFFFFFFFF;
	p2 =	slt.u32 s8, $0xFFFFF086  }
0x1c: {  	p1 =	slt.u32 s9, $0xF7A;
	s5 =	simm.s32 @!p2 $0x0  }
0x1d: {  	s5 =	simm.s32 @p1 $0x1;
	p0 =	seq.s32 s7, s2  }
0x1e: {  	s7 =	smul.u32 @!p0 $0xF7A, s2;
	p2 =	seq.s32 @!p0 s5, $0x0  }
0x1f: {  	s9 =	smul.u32 $0xF7A, s1;
	s8 =	simm.s32 @!p0 $0x1BF5;
	p2 =	por !p2, p0  }
0x20: {  	[sflag:s8] =	ssyncset.s32 @!p0 $0xFFFFF086;
	s6 =	sadd.s32 @!p0 s3, s7;
	s7 =	simm.s32 @!p0 $0x108  }
0x21: {  	s3 =	sadd.s32 s3, s9;
	s6 =	sadd.s32 @!p0 $0x88, s6;
	s7 =	simm.s32 @p2 $0x1082  }
0x22: {  	[simem:s7], [sflag:s8] =	dma.local @!p0 [hbm:s6], $0xF7A  }
0x23: {  	s9 =	sor.u32 $0xD0000000, s2;
	s6 =	simm.s32 $0x108;
	_ =	swait.ge @!p0 [sflag:s8], $0x0  }
0x24: {  	s3 =	sadd.s32 $0x88, s3;
	s6 =	simm.s32 @!p1 $0x1082;
	[sflag:s4] =	ssyncset.s32 $0xFFFFF086  }
0x25: {  	[simem:s6], [sflag:s4] =	dma.local [hbm:s3], $0xF7A  }
0x26: {  	[smem:$0x3F90] =	sst s1;
	(tag) =	ssettag s2;
	_ =	strace s9  }
0x27: {  	s1 =	sld [smem:$0x3FA0]  }
0x28: {  	s2 =	sld [smem:$0x3FA1]  }
0x29: {  	s4 =	sld [smem:$0x3FA3]  }
0x2a: {  	p0 =	seq.s32 s5, $0x0;
	s5 =	sld [smem:$0x3FA4]  }
0x2b: {  	s6 =	sld [smem:$0x3FA5]  }
0x2c: {  	s7 =	sld [smem:$0x3FA6]  }
0x2d: {  	s3 =	simm.s32 $0x108;
	s8 =	sld [smem:$0x3FA7]  }
0x2e: {  	s3 =	simm.s32 @!p0 $0x1082;
	s9 =	sld [smem:$0x3FA8]  }
0x2f: {  	lr =	sadd.s32 s0, s3;
	s0 =	sld [smem:$0x3F9F]  }
0x30: {  	s3 =	sld [smem:$0x3FA2]  }
0x31: {  	[smem:$0x3FAB] =	sst s10  }
0x32: {  	s10 =	sld [smem:$0x3FA9];
	_ =	sdelay $0x3  }
0x33: {  	p0 =	seq.s32 s10, $0x1;
	s10 =	sld [smem:$0x3FAB];
	_ =	sdelay $0x3  }
0x34: {  	[smem:$0x3FAB] =	sst s10  }
0x35: {  	s10 =	sld [smem:$0x3FAA];
	_ =	sdelay $0x3  }
0x36: {  	p1 =	seq.s32 s10, $0x1;
	s10 =	sld [smem:$0x3FAB];
	_ =	sdelay $0x3  }
0x37: {  	[smem:$0x3FAB] =	sst s10  }
0x38: {  	s10 =	sld [smem:$0x3FAC]  }
0x39: {  	_ = 	snop;
	(pc) =	sbr.ind lr, $3  }
0x3a: {  	_ = 	snop  }
0x3b: {  	_ = 	snop  }
0x3c: {  	p2 =	seq.s32 s10, $0x1;
	s10 =	sld [smem:$0x3FAB]  }
0x3d: {  	_ =	shalt  }
0x3e: {  	_ =	shalt  }
0x3f: {  	_ =	shalt  }
0x40: {  	_ =	shalt  }
0x41: {  	_ =	shalt  }
0x42: {  	_ =	shalt  }
0x43: {  	_ =	shalt  }
0x44: {  	_ =	shalt  }
0x45: {  	_ =	shalt  }
0x46: {  	_ =	shalt  }
0x47: {  	_ =	shalt  }
0x48: {  	_ =	shalt  }
0x49: {  	_ =	shalt  }
0x4a: {  	_ =	shalt  }
0x4b: {  	_ =	shalt  }
0x4c: {  	_ =	shalt  }
0x4d: {  	_ =	shalt  }
0x4e: {  	_ =	shalt  }
0x4f: {  	_ =	shalt  }
0x50: {  	_ =	shalt  }
0x51: {  	_ =	shalt  }
0x52: {  	_ =	shalt  }
0x53: {  	_ =	shalt  }
0x54: {  	_ =	shalt  }
0x55: {  	_ =	shalt  }
0x56: {  	_ =	shalt  }
0x57: {  	_ =	shalt  }
0x58: {  	_ =	shalt  }
0x59: {  	_ =	shalt  }
0x5a: {  	_ =	shalt  }
0x5b: {  	_ =	shalt  }
0x5c: {  	_ =	shalt  }
0x5d: {  	_ =	shalt  }
0x5e: {  	_ =	shalt  }
0x5f: {  	_ =	shalt  }
0x60: {  	_ =	shalt  }
0x61: {  	_ =	shalt  }
0x62: {  	_ =	shalt  }
0x63: {  	_ =	shalt  }
0x64: {  	_ =	shalt  }
0x65: {  	_ =	shalt  }
0x66: {  	_ =	shalt  }
0x67: {  	_ =	shalt  }
0x68: {  	_ =	shalt  }
0x69: {  	_ =	shalt  }
0x6a: {  	_ =	shalt  }
0x6b: {  	_ =	shalt  }
0x6c: {  	_ =	shalt  }
0x6d: {  	_ =	shalt  }
0x6e: {  	_ =	shalt  }
0x6f: {  	_ =	shalt  }
0x70: {  	_ =	shalt  }
0x71: {  	_ =	shalt  }
0x72: {  	_ =	shalt  }
0x73: {  	_ =	shalt  }
0x74: {  	_ =	shalt  }
0x75: {  	_ =	shalt  }
0x76: {  	_ =	shalt  }
0x77: {  	_ =	shalt  }
0x78: {  	_ =	shalt  }
0x79: {  	_ =	shalt  }
0x7a: {  	_ =	shalt  }
0x7b: {  	_ =	shalt  }
0x7c: {  	_ =	shalt  }
0x7d: {  	_ =	shalt  }
0x7e: {  	_ =	shalt  }
0x7f: {  	_ =	shalt  }
0x80: {  	_ =	shalt  }
0x81: {  	_ =	shalt  }
0x82: {  	_ =	shalt  }
0x83: {  	_ =	shalt  }
0x84: {  	_ =	shalt  }
0x85: {  	_ =	shalt  }
0x86: {  	_ =	shalt  }
0x87: {  	_ =	shalt  }
.Lfunc_end0:
.L_simem_size_0:
called_computation.1_lowered:
.L_overlay_start_0:
0x88: {  	s2 =	sld [smem:$0x3FD9]  }
0x89: {  	s3 =	sld [smem:$0x3FFE];
	_ =	sdelay $0x1  }
0x8a: {  	s1 =	srdreg.scid  }
0x8b: {  	s0 =	sand.u32 $0x1, s1  }
0x8c: {  	s14 =	sshll.u32 s0, $0xA;
	s2 =	sadd.s32 s3, s2  }
0x8d: {  	s2 =	sadd.s32 s2, s14  }
0x8e: {  	[smem:$0x3FB7] =	sst s2  }
0x8f: {  	_ = 	snop  }
0x90: {  	s2 =	sld [smem:$0x3FD0];
	_ =	sdelay $0x2  }
0x91: {  	s15 =	simm.s32 $0xA;
	s4 =	simm.s32 $0x10  }
0x92: {  	[smem:s4], [sflag:s15] =	dma.local [hbm:s2], $0x1  }
0x93: {  	_ =	swait.eq [sflag:s15], $0x1  }
0x94: {  	[sflag:s15] =	ssyncset.done $0x0  }
0x95: {  	[sflag:s15] =	ssyncadd.s32 $0xFFFFFFFF  }
0x96: {  	s16 =	sld [smem:$0x10];
	(tm) =	ssettm $0x1  }
0x97: {  	s17 =	sld [smem:$0x3FFB];
	_ =	sdelay $0x3  }
0x98: {  	_ =	strace s17  }
0x99: {  	s3 =	sld [smem:$0x3FFC];
	_ =	sdelay $0x3  }
0x9a: {  	_ =	strace s3  }
0x9b: {  	s3 =	sld [smem:$0x3FFD];
	_ =	sdelay $0x3  }
0x9c: {  	_ =	strace s3  }
0x9d: {  	_ =	strace $0x8FFFFFFF  }
0x9e: {  	s18 =	sld [smem:$0x3FDB];
	_ =	sdelay $0x1  }
0x9f: {  	s19 =	simm.s32 $_scs_section_size  }
0xa0: {  	s5 =	simm.s32 $_size__tile_overlayer_lowered;
	s6 =	simm.s32 $_tile_overlayer_lowered  }
0xa1: {  	s22 =	simm.s32 $0x1BFF;
	s21 =	sshll.u32 s6, $0x1;
	s3 =	sadd.s32 s19, s18  }
0xa2: {  	s7 =	simm.s32 $0x0;
	s20 =	sshll.u32 s5, $0x1;
	s5 =	sadd.s32 s21, s3  }
0xa3: {  	[timem:s7], [sflag:s22] =	dma.local [hbm:s5], s20  }
0xa4: {  	_ =	swait.ge [sflag:s22], s20  }
0xa5: {  	s4 =	ssub.s32 $0x0, s20;
	[sflag:s22] =	ssyncset.done $0x0  }
0xa6: {  	[sflag:s22] =	ssyncadd.s32 s4;
	_ =	sdelay $0x1  }
0xa7: {  	s23 =	simm.s32 $0x1B8B  }
0xa8: {  	_ =	swait.ge [sflag:s23], $0x1  }
0xa9: {  	[sflag:s23] =	ssyncset.done $0x0  }
0xaa: {  	s25 =	simm.s32 $0x1B8E;
	s24 =	sld [smem:$0x3FFE];
	[sflag:s23] =	ssyncadd.s32 $0xFFFFFFFF  }
0xab: {  	s26 =	simm.s32 $execute0_lowered;
	[smem:$0x3FD2] =	sst s25  }
0xac: {  	s5 =	sshll.u32 s26, $0x1;
	_ =	strace $0x80000049;
	[dreg:$0x1] =	wrdreg $0xFFFFFFFF  }
0xad: {  	s28 =	simm.s32 $_size_execute0_lowered;
	s3 =	sadd.s32 s3, s5;
	[dreg:$0x0] =	wrdreg $0x0  }
0xae: {  	s5 =	sshll.u32 s28, $0x1;
	[dreg:$0x2] =	wrdreg s3  }
0xaf: {  	[dreg:$0x3] =	wrdreg s5  }
0xb0: {  	[dreg:$0x4] =	wrdreg $0xC0  }
0xb1: {  	_ =	task [dreg:s7], $0x5FFFF  }
0xb2: {  	[dreg:$0x1] =	wrdreg $0xFFFFFFFF  }
0xb3: {  	[dreg:$0x0] =	wrdreg $0x60  }
0xb4: {  	[dreg:$0x2] =	wrdreg s24  }
0xb5: {  	[dreg:$0x3] =	wrdreg s16  }
0xb6: {  	[dreg:$0x4] =	wrdreg $0x9  }
0xb7: {  	_ =	task.clear_ibuf [dreg:s7], $0x5FFFF;
	_ =	strace $0x90000049  }
0xb8: {  	s29 =	simm.s32 $0x9;
	_ =	strace $0x8000004B  }
0xb9: {  	_ =	swait.ge [sflag:s29], $0x1  }
0xba: {  	[sflag:s29] =	ssyncadd.s32 $0xFFFFFFFF  }
0xbb: {  	_ =	strace $0x9000004B  }
0xbc: {  	_ =	sfence  }
0xbd: {  	s30 =	sld [smem:$0x0];
	_ =	sdelay $0x2  }
0xbe: {  	s31 =	sshll.u32 s1, $0xD;
	s1 =	sshrl.u32 s1, $0x2  }
0xbf: {  	s3 =	sand.u32 $0x4000, s31;
	s1 =	sadd.s32 s1, s30  }
0xc0: {  	s0 =	sor.u32 s3, s0;
	s1 =	sshll.u32 s1, $0x11  }
0xc1: {  	s0 =	sor.u32 s1, s0  }
0xc2: {  	s0 =	sadd.s32 $0x8F2B, s0  }
0xc3: {  	[sflag:s0] =	ssyncadd.remote.s32 $0x1  }
0xc4: {  	_ =	sfence.sel $0xFFFF  }
0xc5: {  	[dreg:$0x0] =	wrdreg $0xFFFFFFFF;
	(pc) =	sbr.abs _section_cstart, $3  }
0xc6: {  	[dreg:$0x1] =	wrdreg $0xFFFFFFFF  }
0xc7: {  	_ =	task.clear_ibuf [dreg:s7], $0x2FFFF;
	_ =	strace $0x9FFFFFFF  }
0xc8: {  	(tm) =	ssettm $0x7FFFFFFF  }
0xc9: {  	_ =	shalt  }
tec
execute0_lowered:
.L_overlay_start_1:
0x0: {  	(tag) =	ssettag $0x1  }
0x1: {  	s0 =	rddreg [dreg:$0x0];
	s2 =	srdreg.scid  }
0x2: {  	s3 =	rddreg [dreg:$0x1];
	s4 =	sand.u32 $0x1, s2;
	s2 =	simm.s32 $0x0  }
0x3: {  	s22 =	simm.s32 $0x80;
	[smem:$0x7FF] =	sst s2  }
0x4: {  	s23 =	simm.s32 $0x900;
	_ =	strace $0x8000004A;
	[dreg:$0x7] =	wrdreg s22  }
0x5: {  	s24 =	simm.s32 $0x1100;
	[dreg:$0x8] =	wrdreg s23  }
0x6: {  	s25 =	simm.s32 $0x1900;
	[dreg:$0x9] =	wrdreg s24  }
0x7: {  	s1 =	stileid.u32;
	s26 =	simm.s32 $0x2100;
	[dreg:$0xa] =	wrdreg s25  }
0x8: {  	s5 =	sshll.u32 s1, $0x4;
	s1 =	simm.s32 $0x2900;
	[dreg:$0xb] =	wrdreg s26  }
0x9: {  	s8 =	simm.s32 $0x4900;
	[dreg:$0xc] =	wrdreg s1  }
0xa: {  	s9 =	simm.s32 $0x5100;
	[dreg:$0x10] =	wrdreg s8  }
0xb: {  	s10 =	simm.s32 $0x5900;
	[dreg:$0x11] =	wrdreg s9  }
0xc: {  	s11 =	simm.s32 $0x6100;
	s12 =	simm.s32 $0x6900;
	[dreg:$0x12] =	wrdreg s10  }
0xd: {  	s13 =	simm.s32 $0x7100;
	s14 =	simm.s32 $0x7900;
	[dreg:$0x13] =	wrdreg s11  }
0xe: {  	s15 =	simm.s32 $0x8100;
	s16 =	simm.s32 $0x8900;
	[dreg:$0x14] =	wrdreg s12  }
0xf: {  	s17 =	simm.s32 $0x9100;
	s18 =	simm.s32 $0x9900;
	[dreg:$0x15] =	wrdreg s13  }
0x10: {  	s28 =	simm.s32 $0x16900;
	s29 =	simm.s32 $0x17100;
	[dreg:$0x16] =	wrdreg s14  }
0x11: {  	s30 =	simm.s32 $0x17900;
	s31 =	simm.s32 $0x1;
	[dreg:$0x17] =	wrdreg s15  }
0x12: {  	s6 =	sshll.u32 s4, $0x3;
	s4 =	ssub.s32 $0x2, s4;
	[dreg:$0x18] =	wrdreg s16  }
0x13: {  	s5 =	sor.u32 s6, s5;
	[dreg:$0x19] =	wrdreg s17;
	s19 =	sshrl.u32 s4, $0x1  }
0x14: {  	[dreg:$0x1a] =	wrdreg s18;
	s22 =	simm.s32 $0xB100;
	s23 =	simm.s32 $0xB900  }
0x15: {  	s24 =	simm.s32 $0xC900;
	s25 =	simm.s32 $0xD100;
	s8 =	simm.s32 $0x100  }
0x16: {  	s26 =	simm.s32 $0xD900;
	s9 =	simm.s32 $0xC100;
	s11 =	simm.s32 $0xE900  }
0x17: {  	s12 =	simm.s32 $0xF100;
	s13 =	simm.s32 $0xF900;
	[dreg:$0x1d] =	wrdreg s22  }
0x18: {  	s14 =	simm.s32 $0x10100;
	s15 =	simm.s32 $0x10900;
	[dreg:$0x1e] =	wrdreg s23  }
0x19: {  	s16 =	simm.s32 $0x11100;
	s17 =	simm.s32 $0x11900;
	[dreg:$0x1f] =	wrdreg s24  }
0x1a: {  	s18 =	simm.s32 $0x12100;
	s6 =	sadd.s32 s5, s0;
	[smem:$0x7FC] =	sst s25  }
0x1b: {  	s5 =	smul.u32 $0x300, s5;
	[smem:$0x7FD] =	sst s26;
	s7 =	sadd.s32 $0x2B8800, s6  }
0x1c: {  	s22 =	simm.s32 $0x14100;
	s6 =	sadd.s32 $0x2B8600, s6;
	[dreg:$0x3] =	wrdreg s7  }
0x1d: {  	s23 =	simm.s32 $0x14900;
	[dreg:$0x4] =	wrdreg s6;
	s3 =	sadd.s32 s3, s5  }
0x1e: {  	s20 =	sadd.s32 s5, s0;
	s5 =	simm.s32 $0x3100;
	[dreg:$0x5] =	wrdreg s3  }
0x1f: {  	s24 =	simm.s32 $0x15100;
	s6 =	simm.s32 $0x3900;
	[dreg:$0xd] =	wrdreg s5  }
0x20: {  	s25 =	simm.s32 $0x15900;
	s7 =	simm.s32 $0x4100;
	[dreg:$0xe] =	wrdreg s6  }
0x21: {  	s26 =	simm.s32 $0x16100;
	s21 =	sadd.s32 $0x78200, s20;
	[dreg:$0xf] =	wrdreg s7  }
0x22: {  	s3 =	sadd.s32 $0x200, s0;
	s20 =	simm.s32 $0xA100;
	s6 =	ssub.s32 s4, s19  }
0x23: {  	s4 =	sadd.s32 $0x300, s0;
	s5 =	sadd.s32 $0x400, s0;
	s7 =	simm.s32 $0x3  }
0x24: {  	v2 =	vlaneseq.u32;
	s19 =	simm.s32 $0x12900;
	s0 =	simm.s32 $0x2;
	[dreg:$0x6] =	wrdreg s21  }
0x25: {  	vm0 =	vmmov $0xffff;
	v1 =	vshrl.u32 v2, $0x3;
	[dreg:$0x1b] =	wrdreg s20;
	s21 =	simm.s32 $0xA900;
	s6 =	smax.u32 s6, $0x1  }
0x26: {  	v0 =	vand.u32 $0x7, v2;
	v2 =	vor.u32 $0x8, v2;
	v1 =	vmul.u32 $0x8, v1;
	s20 =	simm.s32 $0x13100;
	[dreg:$0x1c] =	wrdreg s21;
	s21 =	simm.s32 $0x13900  }
.LBB2_1:
0x27: {  	s1 =	rddreg [dreg:$0x3]  }
0x28: {  	[tilespmem:s2], [sflag:$0x3] =	stream.linear.gather [hbm4b:s1+s2], $0x40, $0x38;
	[tilespmem:$0x18100] =	vst v63  }
0x29: {  	_ =	swait.ge [sflag:s7], $0x40  }
0x2a: {  	s1 =	rddreg [dreg:$0x4];
	[sflag:s7] =	ssyncset.done $0x0  }
0x2b: {  	s10 =	rddreg [dreg:$0x7];
	[sflag:s7] =	ssyncadd.s32 $0xFFFFFFC0  }
0x2c: {  	[tilespmem:s10], [sflag:$0x3] =	stream.linear.gather [hbm4b:s1+s2], $0x40, $0x38;
	[tilespmem:$0x18100] =	vst v63  }
0x2d: {  	_ =	swait.ge [sflag:s7], $0x40  }
0x2e: {  	[sflag:s7] =	ssyncset.done $0x0  }
0x2f: {  	[sflag:s7] =	ssyncadd.s32 $0xFFFFFFC0  }
0x30: {  	v3 =	vld [tilespmem:$0x0];
	_ =	sdelay $0x4  }
0x31: {  	v4 =	vshrl.u32 v3, $0x3  }
0x32: {  	v4 =	vmul.u32 $0x30, v4  }
0x33: {  	v3 =	vand.u32 $0x7, v3  }
0x34: {  	v3 =	vor.u32 v3, v4  }
0x35: {  	v4 =	vperm.xlane v3, v0;
	_ =	sdelay $0x1  }
0x36: {  	v4 =	vadd.s32 v1, v4;
	_ =	sdelay $0x3  }
0x37: {  	v3 =	vperm.xlane v3, v2  }
0x38: {  	[tilespmem:s8], [sflag:$0x1] =	stream.indirect_vreg.gather [hbm4b:s3+s2], $0x80, v4, vm0, $0xb8;
	[tilespmem:$0x18100] =	vst v63  }
0x39: {  	s1 =	rddreg [dreg:$0x8];
	v3 =	vadd.s32 v1, v3  }
0x3a: {  	[tilespmem:s1], [sflag:$0x1] =	stream.indirect_vreg.gather [hbm4b:s4+s2], $0x80, v4, vm0, $0xb8;
	[tilespmem:$0x18100] =	vst v63  }
0x3b: {  	s10 =	rddreg [dreg:$0x9]  }
0x3c: {  	[tilespmem:s10], [sflag:$0x1] =	stream.indirect_vreg.gather [hbm4b:s5+s2], $0x80, v4, vm0, $0xb8;
	[tilespmem:$0x18100] =	vst v63  }
0x3d: {  	s1 =	rddreg [dreg:$0xa]  }
0x3e: {  	[tilespmem:s1], [sflag:$0x1] =	stream.indirect_vreg.gather [hbm4b:s3+s2], $0x80, v3, vm0, $0xb8;
	[tilespmem:$0x18100] =	vst v63  }
0x3f: {  	s10 =	rddreg [dreg:$0xb]  }
0x40: {  	[tilespmem:s10], [sflag:$0x1] =	stream.indirect_vreg.gather [hbm4b:s4+s2], $0x80, v3, vm0, $0xb8;
	[tilespmem:$0x18100] =	vst v63  }
0x41: {  	s1 =	rddreg [dreg:$0xc]  }
0x42: {  	[tilespmem:s1], [sflag:$0x1] =	stream.indirect_vreg.gather [hbm4b:s5+s2], $0x80, v3, vm0, $0xb8;
	[tilespmem:$0x18100] =	vst v63  }
0x43: {  	v3 =	vld [tilespmem:$0x10];
	_ =	sdelay $0x4  }
0x44: {  	v57 =	vshrl.u32 v3, $0x3  }
0x45: {  	v4 =	vmul.u32 $0x30, v57  }
0x46: {  	v3 =	vand.u32 $0x7, v3  }
0x47: {  	v3 =	vor.u32 v3, v4  }
0x48: {  	v4 =	vperm.xlane v3, v0;
	_ =	sdelay $0x1  }
0x49: {  	v4 =	vadd.s32 v1, v4;
	_ =	sdelay $0x3  }
0x4a: {  	s1 =	rddreg [dreg:$0xd];
	v3 =	vperm.xlane v3, v2  }
0x4b: {  	[tilespmem:s1], [sflag:$0x1] =	stream.indirect_vreg.gather [hbm4b:s3+s2], $0x80, v4, vm0, $0xb8;
	[tilespmem:$0x18100] =	vst v63  }
0x4c: {  	s10 =	rddreg [dreg:$0xe];
	v3 =	vadd.s32 v1, v3  }
0x4d: {  	[tilespmem:s10], [sflag:$0x1] =	stream.indirect_vreg.gather [hbm4b:s4+s2], $0x80, v4, vm0, $0xb8;
	[tilespmem:$0x18100] =	vst v63  }
0x4e: {  	s1 =	rddreg [dreg:$0xf]  }
0x4f: {  	[tilespmem:s1], [sflag:$0x1] =	stream.indirect_vreg.gather [hbm4b:s5+s2], $0x80, v4, vm0, $0xb8;
	[tilespmem:$0x18100] =	vst v63  }
0x50: {  	s10 =	rddreg [dreg:$0x10]  }
0x51: {  	[tilespmem:s10], [sflag:$0x1] =	stream.indirect_vreg.gather [hbm4b:s3+s2], $0x80, v3, vm0, $0xb8;
	[tilespmem:$0x18100] =	vst v63  }
0x52: {  	s1 =	rddreg [dreg:$0x11]  }
0x53: {  	[tilespmem:s1], [sflag:$0x1] =	stream.indirect_vreg.gather [hbm4b:s4+s2], $0x80, v3, vm0, $0xb8;
	[tilespmem:$0x18100] =	vst v63  }
0x54: {  	s10 =	rddreg [dreg:$0x12]  }
0x55: {  	[tilespmem:s10], [sflag:$0x1] =	stream.indirect_vreg.gather [hbm4b:s5+s2], $0x80, v3, vm0, $0xb8;
	[tilespmem:$0x18100] =	vst v63  }
0x56: {  	v3 =	vld [tilespmem:$0x20];
	_ =	sdelay $0x4  }
0x57: {  	v58 =	vshrl.u32 v3, $0x3  }
0x58: {  	v4 =	vmul.u32 $0x30, v58  }
0x59: {  	v3 =	vand.u32 $0x7, v3  }
0x5a: {  	v3 =	vor.u32 v3, v4  }
0x5b: {  	v4 =	vperm.xlane v3, v0;
	_ =	sdelay $0x1  }
0x5c: {  	v4 =	vadd.s32 v1, v4;
	_ =	sdelay $0x3  }
0x5d: {  	s1 =	rddreg [dreg:$0x13];
	v3 =	vperm.xlane v3, v2  }
0x5e: {  	[tilespmem:s1], [sflag:$0x1] =	stream.indirect_vreg.gather [hbm4b:s3+s2], $0x80, v4, vm0, $0xb8;
	[tilespmem:$0x18100] =	vst v63  }
0x5f: {  	s10 =	rddreg [dreg:$0x14];
	v3 =	vadd.s32 v1, v3  }
0x60: {  	[tilespmem:s10], [sflag:$0x1] =	stream.indirect_vreg.gather [hbm4b:s4+s2], $0x80, v4, vm0, $0xb8;
	[tilespmem:$0x18100] =	vst v63  }
0x61: {  	s1 =	rddreg [dreg:$0x15]  }
0x62: {  	[tilespmem:s1], [sflag:$0x1] =	stream.indirect_vreg.gather [hbm4b:s5+s2], $0x80, v4, vm0, $0xb8;
	[tilespmem:$0x18100] =	vst v63  }
0x63: {  	s10 =	rddreg [dreg:$0x16]  }
0x64: {  	[tilespmem:s10], [sflag:$0x1] =	stream.indirect_vreg.gather [hbm4b:s3+s2], $0x80, v3, vm0, $0xb8;
	[tilespmem:$0x18100] =	vst v63  }
0x65: {  	s1 =	rddreg [dreg:$0x17]  }
0x66: {  	[tilespmem:s1], [sflag:$0x1] =	stream.indirect_vreg.gather [hbm4b:s4+s2], $0x80, v3, vm0, $0xb8;
	[tilespmem:$0x18100] =	vst v63  }
0x67: {  	s10 =	rddreg [dreg:$0x18]  }
0x68: {  	[tilespmem:s10], [sflag:$0x1] =	stream.indirect_vreg.gather [hbm4b:s5+s2], $0x80, v3, vm0, $0xb8;
	[tilespmem:$0x18100] =	vst v63  }
0x69: {  	v3 =	vld [tilespmem:$0x30];
	_ =	sdelay $0x4  }
0x6a: {  	v59 =	vshrl.u32 v3, $0x3  }
0x6b: {  	v4 =	vmul.u32 $0x30, v59  }
0x6c: {  	v3 =	vand.u32 $0x7, v3  }
0x6d: {  	v3 =	vor.u32 v3, v4  }
0x6e: {  	v4 =	vperm.xlane v3, v0;
	_ =	sdelay $0x1  }
0x6f: {  	v4 =	vadd.s32 v1, v4;
	_ =	sdelay $0x3  }
0x70: {  	s1 =	rddreg [dreg:$0x19];
	v3 =	vperm.xlane v3, v2  }
0x71: {  	[tilespmem:s1], [sflag:$0x1] =	stream.indirect_vreg.gather [hbm4b:s3+s2], $0x80, v4, vm0, $0xb8;
	[tilespmem:$0x18100] =	vst v63  }
0x72: {  	s10 =	rddreg [dreg:$0x1a];
	v3 =	vadd.s32 v1, v3  }
0x73: {  	[tilespmem:s10], [sflag:$0x1] =	stream.indirect_vreg.gather [hbm4b:s4+s2], $0x80, v4, vm0, $0xb8;
	[tilespmem:$0x18100] =	vst v63  }
0x74: {  	s1 =	rddreg [dreg:$0x1b]  }
0x75: {  	[tilespmem:s1], [sflag:$0x1] =	stream.indirect_vreg.gather [hbm4b:s5+s2], $0x80, v4, vm0, $0xb8;
	[tilespmem:$0x18100] =	vst v63  }
0x76: {  	s10 =	rddreg [dreg:$0x1c]  }
0x77: {  	[tilespmem:s10], [sflag:$0x1] =	stream.indirect_vreg.gather [hbm4b:s3+s2], $0x80, v3, vm0, $0xb8;
	[tilespmem:$0x18100] =	vst v63  }
0x78: {  	s1 =	rddreg [dreg:$0x1d]  }
0x79: {  	[tilespmem:s1], [sflag:$0x1] =	stream.indirect_vreg.gather [hbm4b:s4+s2], $0x80, v3, vm0, $0xb8;
	[tilespmem:$0x18100] =	vst v63  }
0x7a: {  	s10 =	rddreg [dreg:$0x1e]  }
0x7b: {  	[tilespmem:s10], [sflag:$0x1] =	stream.indirect_vreg.gather [hbm4b:s5+s2], $0x80, v3, vm0, $0xb8;
	[tilespmem:$0x18100] =	vst v63  }
0x7c: {  	v3 =	vld [tilespmem:$0x80];
	_ =	sdelay $0x4  }
0x7d: {  	v60 =	vshrl.u32 v3, $0x3  }
0x7e: {  	v4 =	vmul.u32 $0x30, v60  }
0x7f: {  	v3 =	vand.u32 $0x7, v3  }
0x80: {  	v3 =	vor.u32 v3, v4  }
0x81: {  	v4 =	vperm.xlane v3, v0;
	_ =	sdelay $0x1  }
0x82: {  	v4 =	vadd.s32 v1, v4;
	_ =	sdelay $0x3  }
0x83: {  	s1 =	rddreg [dreg:$0x1f];
	v3 =	vperm.xlane v3, v2  }
0x84: {  	[tilespmem:s9], [sflag:$0x2] =	stream.indirect_vreg.gather [hbm4b:s3+s2], $0x80, v4, vm0, $0xb8;
	[tilespmem:$0x18100] =	vst v63  }
0x85: {  	s10 =	sld [smem:$0x7FC];
	v3 =	vadd.s32 v1, v3  }
0x86: {  	[tilespmem:s1], [sflag:$0x2] =	stream.indirect_vreg.gather [hbm4b:s4+s2], $0x80, v4, vm0, $0xb8;
	[tilespmem:$0x18100] =	vst v63  }
0x87: {  	s1 =	sld [smem:$0x7FD]  }
0x88: {  	[tilespmem:s10], [sflag:$0x2] =	stream.indirect_vreg.gather [hbm4b:s5+s2], $0x80, v4, vm0, $0xb8;
	[tilespmem:$0x18100] =	vst v63  }
0x89: {  	_ = 	snop  }
0x8a: {  	[tilespmem:s1], [sflag:$0x2] =	stream.indirect_vreg.gather [hbm4b:s3+s2], $0x80, v3, vm0, $0xb8;
	[tilespmem:$0x18100] =	vst v63  }
0x8b: {  	s10 =	simm.s32 $0xE100  }
0x8c: {  	[tilespmem:s10], [sflag:$0x2] =	stream.indirect_vreg.gather [hbm4b:s4+s2], $0x80, v3, vm0, $0xb8;
	[tilespmem:$0x18100] =	vst v63  }
0x8d: {  	_ = 	snop  }
0x8e: {  	[tilespmem:s11], [sflag:$0x2] =	stream.indirect_vreg.gather [hbm4b:s5+s2], $0x80, v3, vm0, $0xb8;
	[tilespmem:$0x18100] =	vst v63  }
0x8f: {  	v3 =	vld [tilespmem:$0x90];
	_ =	sdelay $0x4  }
0x90: {  	v61 =	vshrl.u32 v3, $0x3  }
0x91: {  	v4 =	vmul.u32 $0x30, v61  }
0x92: {  	v3 =	vand.u32 $0x7, v3  }
0x93: {  	v3 =	vor.u32 v3, v4  }
0x94: {  	v4 =	vperm.xlane v3, v0;
	_ =	sdelay $0x1  }
0x95: {  	v4 =	vadd.s32 v1, v4;
	_ =	sdelay $0x3  }
0x96: {  	v3 =	vperm.xlane v3, v2  }
0x97: {  	[tilespmem:s12], [sflag:$0x2] =	stream.indirect_vreg.gather [hbm4b:s3+s2], $0x80, v4, vm0, $0xb8;
	[tilespmem:$0x18100] =	vst v63  }
0x98: {  	v3 =	vadd.s32 v1, v3  }
0x99: {  	[tilespmem:s13], [sflag:$0x2] =	stream.indirect_vreg.gather [hbm4b:s4+s2], $0x80, v4, vm0, $0xb8;
	[tilespmem:$0x18100] =	vst v63  }
0x9a: {  	_ = 	snop  }
0x9b: {  	[tilespmem:s14], [sflag:$0x2] =	stream.indirect_vreg.gather [hbm4b:s5+s2], $0x80, v4, vm0, $0xb8;
	[tilespmem:$0x18100] =	vst v63  }
0x9c: {  	_ = 	snop  }
0x9d: {  	[tilespmem:s15], [sflag:$0x2] =	stream.indirect_vreg.gather [hbm4b:s3+s2], $0x80, v3, vm0, $0xb8;
	[tilespmem:$0x18100] =	vst v63  }
0x9e: {  	_ = 	snop  }
0x9f: {  	[tilespmem:s16], [sflag:$0x2] =	stream.indirect_vreg.gather [hbm4b:s4+s2], $0x80, v3, vm0, $0xb8;
	[tilespmem:$0x18100] =	vst v63  }
0xa0: {  	_ = 	snop  }
0xa1: {  	[tilespmem:s17], [sflag:$0x2] =	stream.indirect_vreg.gather [hbm4b:s5+s2], $0x80, v3, vm0, $0xb8;
	[tilespmem:$0x18100] =	vst v63  }
0xa2: {  	v3 =	vld [tilespmem:$0xA0];
	_ =	sdelay $0x4  }
0xa3: {  	v62 =	vshrl.u32 v3, $0x3  }
0xa4: {  	v4 =	vmul.u32 $0x30, v62  }
0xa5: {  	v3 =	vand.u32 $0x7, v3  }
0xa6: {  	v3 =	vor.u32 v3, v4  }
0xa7: {  	v4 =	vperm.xlane v3, v0;
	_ =	sdelay $0x1  }
0xa8: {  	v4 =	vadd.s32 v1, v4;
	_ =	sdelay $0x3  }
0xa9: {  	v3 =	vperm.xlane v3, v2  }
0xaa: {  	[tilespmem:s18], [sflag:$0x2] =	stream.indirect_vreg.gather [hbm4b:s3+s2], $0x80, v4, vm0, $0xb8;
	[tilespmem:$0x18100] =	vst v63  }
0xab: {  	v3 =	vadd.s32 v1, v3  }
0xac: {  	[tilespmem:s19], [sflag:$0x2] =	stream.indirect_vreg.gather [hbm4b:s4+s2], $0x80, v4, vm0, $0xb8;
	[tilespmem:$0x18100] =	vst v63  }
0xad: {  	_ = 	snop  }
0xae: {  	[tilespmem:s20], [sflag:$0x2] =	stream.indirect_vreg.gather [hbm4b:s5+s2], $0x80, v4, vm0, $0xb8;
	[tilespmem:$0x18100] =	vst v63  }
0xaf: {  	_ = 	snop  }
0xb0: {  	[tilespmem:s21], [sflag:$0x2] =	stream.indirect_vreg.gather [hbm4b:s3+s2], $0x80, v3, vm0, $0xb8;
	[tilespmem:$0x18100] =	vst v63  }
0xb1: {  	_ = 	snop  }
0xb2: {  	[tilespmem:s22], [sflag:$0x2] =	stream.indirect_vreg.gather [hbm4b:s4+s2], $0x80, v3, vm0, $0xb8;
	[tilespmem:$0x18100] =	vst v63  }
0xb3: {  	_ = 	snop  }
0xb4: {  	[tilespmem:s23], [sflag:$0x2] =	stream.indirect_vreg.gather [hbm4b:s5+s2], $0x80, v3, vm0, $0xb8;
	[tilespmem:$0x18100] =	vst v63  }
0xb5: {  	v3 =	vld [tilespmem:$0xB0];
	_ =	sdelay $0x4  }
0xb6: {  	v63 =	vshrl.u32 v3, $0x3  }
0xb7: {  	v4 =	vmul.u32 $0x30, v63  }
0xb8: {  	v3 =	vand.u32 $0x7, v3  }
0xb9: {  	v3 =	vor.u32 v3, v4  }
0xba: {  	v4 =	vperm.xlane v3, v0;
	_ =	sdelay $0x1  }
0xbb: {  	v4 =	vadd.s32 v1, v4;
	_ =	sdelay $0x3  }
0xbc: {  	v3 =	vperm.xlane v3, v2  }
0xbd: {  	[tilespmem:s24], [sflag:$0x2] =	stream.indirect_vreg.gather [hbm4b:s3+s2], $0x80, v4, vm0, $0xb8;
	[tilespmem:$0x18100] =	vst v63  }
0xbe: {  	v3 =	vadd.s32 v1, v3  }
0xbf: {  	[tilespmem:s25], [sflag:$0x2] =	stream.indirect_vreg.gather [hbm4b:s4+s2], $0x80, v4, vm0, $0xb8;
	[tilespmem:$0x18100] =	vst v63  }
0xc0: {  	_ = 	snop  }
0xc1: {  	[tilespmem:s26], [sflag:$0x2] =	stream.indirect_vreg.gather [hbm4b:s5+s2], $0x80, v4, vm0, $0xb8;
	[tilespmem:$0x18100] =	vst v63  }
0xc2: {  	_ = 	snop  }
0xc3: {  	[tilespmem:s28], [sflag:$0x2] =	stream.indirect_vreg.gather [hbm4b:s3+s2], $0x80, v3, vm0, $0xb8;
	[tilespmem:$0x18100] =	vst v63  }
0xc4: {  	_ = 	snop  }
0xc5: {  	[tilespmem:s29], [sflag:$0x2] =	stream.indirect_vreg.gather [hbm4b:s4+s2], $0x80, v3, vm0, $0xb8;
	[tilespmem:$0x18100] =	vst v63  }
0xc6: {  	_ = 	snop  }
0xc7: {  	[tilespmem:s30], [sflag:$0x2] =	stream.indirect_vreg.gather [hbm4b:s5+s2], $0x80, v3, vm0, $0xb8;
	[tilespmem:$0x18100] =	vst v63  }
0xc8: {  	_ =	swait.ge [sflag:s31], $0xC000  }
0xc9: {  	[sflag:s31] =	ssyncset.done $0x0  }
0xca: {  	s10 =	rddreg [dreg:$0x5];
	[sflag:s31] =	ssyncadd.s32 $0xFFFF4000  }
0xcb: {  	[hbm4b:s10+s2] =	stream.linear.scatter [tilespmem:s8], [sflag:$0x1], $0xC000, $0x38;
	[tilespmem:$0x18100] =	vst v63  }
0xcc: {  	_ =	swait.ge [sflag:s0], $0xC000  }
0xcd: {  	[sflag:s0] =	ssyncset.done $0x0  }
0xce: {  	s10 =	rddreg [dreg:$0x6];
	[sflag:s0] =	ssyncadd.s32 $0xFFFF4000  }
0xcf: {  	[hbm4b:s10+s2] =	stream.linear.scatter [tilespmem:s9], [sflag:$0x2], $0xC000, $0x38;
	[tilespmem:$0x18100] =	vst v63  }
0xd0: {  	p0 =	sne.s32 s6, $0x1;
	_ =	swait.ge [sflag:s31], $0xC000  }
.Ltmp0:
0xd1: {  	[sflag:s31] =	ssyncset.done $0x0;
	(pc) =	sbr.rel @p0 .LBB2_1-.Ltmp0, $4  }
0xd2: {  	[sflag:s31] =	ssyncadd.s32 $0xFFFF4000  }
0xd3: {  	_ =	swait.ge [sflag:s0], $0xC000  }
0xd4: {  	[sflag:s0] =	ssyncset.done $0x0  }
0xd5: {  	s6 =	sadd.s32 $0xFFFFFFFF, s6;
	[sflag:s0] =	ssyncadd.s32 $0xFFFF4000  }
0xd6: {  	_ =	sfence.sel $0x180000  }
0xd7: {  	[bflag:$0x0] =	sbarrier.arrive $0xFFFF  }
0xd8: {  	_ =	strace $0x9000004A  }
0xd9: {  	s0 =	stileid.u32;
	[bflag:$0x2] =	sbarrier.arrive $0xFFFF  }
0xda: {  	p0 =	sne.s32 s0, $0x0;
	s0 =	rddreg [dreg:$0x2]  }
0xdb: {  	s0 =	sadd.s32 @!p0 $0x100000, s0  }
0xdc: {  	[sflag:s0] =	ssyncadd.tile.s32 @!p0 $0x1;
	_ =	shalt  }
.Lfunc_end2:
_tile_overlayer_lowered:
.L_overlay_start_2:
0xdd: {  	(tag) =	ssettag $0x2  }
0xde: {  	s0 =	rddreg [dreg:$0x0];
	s2 =	stileid.u32  }
0xdf: {  	s1 =	rddreg [dreg:$0x1];
	p0 =	sne.s32 s2, $0x0  }
0xe0: {  	s3 =	rddreg [dreg:$0x2];
	[bflag:$0x3] =	sbarrier.arrive $0xFFFF;
	s2 =	simm.s32 @!p0 $0x1C03  }
0xe1: {  	[timem:s3], [sflag:s2] =	dma.local @!p0 [hbm:s0], s1  }
0xe2: {  	s0 =	simm.s32 @!p0 $0x3  }
0xe3: {  	_ =	swait.ge @!p0 [sflag:s0], s1  }
0xe4: {  	s1 =	ssub.s32 @!p0 $0x0, s1;
	[sflag:s0] =	ssyncset.done @!p0 $0x0  }
0xe5: {  	[sflag:s0] =	ssyncadd.s32 @!p0 s1  }
0xe6: {  	[bflag:$0x3] =	sbarrier.arrive $0xFFFF  }
0xe7: {  	_ =	shalt  }

// kernel: kernel.9.cloned.1.call-start
scs
__scs_entry_jumppad:
0x0: {  	(pc) =	sbr.rel $0x88, $3  }
0x1: {  	(tag) =	ssettag $0x0;
	lr =	simm.s32 $0x1  }
0x2: {  	[smem:$0x3F90] =	sst lr;
	_ =	strace $0xD0000000  }
0x3: {  	_ = 	snop  }
0x4: {  	_ = 	snop  }
0x5: {  	_ = 	snop  }
0x6: {  	_ = 	snop  }
0x7: {  	_ = 	snop  }
__scs_overlays_trampoline_lowered:
0x8: {  	[smem:$0x3F9F] =	sst s0  }
0x9: {  	[smem:$0x3FA0] =	sst s1  }
0xa: {  	[smem:$0x3FA1] =	sst s2  }
0xb: {  	[smem:$0x3FA2] =	sst s3  }
0xc: {  	[smem:$0x3FA3] =	sst s4  }
0xd: {  	[smem:$0x3FA4] =	sst s5  }
0xe: {  	[smem:$0x3FA5] =	sst s6  }
0xf: {  	[smem:$0x3FA6] =	sst s7  }
0x10: {  	[smem:$0x3FA7] =	sst s8  }
0x11: {  	[smem:$0x3FA8] =	sst s9;
	s0 =	simm.s32 @!p0 $0x0  }
0x12: {  	s1 =	sld [smem:$0x3F8E];
	s0 =	simm.s32 @p0 $0x1  }
0x13: {  	[smem:$0x3FA9] =	sst s0;
	s0 =	simm.s32 @!p1 $0x0  }
0x14: {  	s2 =	sld [smem:$0x3F8D];
	s0 =	simm.s32 @p1 $0x1  }
0x15: {  	[smem:$0x3FAA] =	sst s0;
	s0 =	simm.s32 @!p2 $0x0  }
0x16: {  	s3 =	sld [smem:$0x3FDB];
	s0 =	simm.s32 @p2 $0x1  }
0x17: {  	s4 =	simm.s32 $0x1BF5;
	[smem:$0x3FAC] =	sst s0  }
0x18: {  	s0 =	sld [smem:$0x3F8F];
	_ =	swait.ge [sflag:s4], $0x0  }
0x19: {  	s7 =	sld [smem:$0x3F90]  }
0x1a: {  	s8 =	sadd.s32 $0xFFFFE003, lr  }
0x1b: {  	s9 =	sadd.s32 $0xFFFFFEF7, lr;
	s5 =	simm.s32 $0xFFFFFFFF;
	p2 =	slt.u32 s8, $0xFFFFF086  }
0x1c: {  	p1 =	slt.u32 s9, $0xF7A;
	s5 =	simm.s32 @!p2 $0x0  }
0x1d: {  	s5 =	simm.s32 @p1 $0x1;
	p0 =	seq.s32 s7, s2  }
0x1e: {  	s7 =	smul.u32 @!p0 $0xF7A, s2;
	p2 =	seq.s32 @!p0 s5, $0x0  }
0x1f: {  	s9 =	smul.u32 $0xF7A, s1;
	s8 =	simm.s32 @!p0 $0x1BF5;
	p2 =	por !p2, p0  }
0x20: {  	[sflag:s8] =	ssyncset.s32 @!p0 $0xFFFFF086;
	s6 =	sadd.s32 @!p0 s3, s7;
	s7 =	simm.s32 @!p0 $0x108  }
0x21: {  	s3 =	sadd.s32 s3, s9;
	s6 =	sadd.s32 @!p0 $0x88, s6;
	s7 =	simm.s32 @p2 $0x1082  }
0x22: {  	[simem:s7], [sflag:s8] =	dma.local @!p0 [hbm:s6], $0xF7A  }
0x23: {  	s9 =	sor.u32 $0xD0000000, s2;
	s6 =	simm.s32 $0x108;
	_ =	swait.ge @!p0 [sflag:s8], $0x0  }
0x24: {  	s3 =	sadd.s32 $0x88, s3;
	s6 =	simm.s32 @!p1 $0x1082;
	[sflag:s4] =	ssyncset.s32 $0xFFFFF086  }
0x25: {  	[simem:s6], [sflag:s4] =	dma.local [hbm:s3], $0xF7A  }
0x26: {  	[smem:$0x3F90] =	sst s1;
	(tag) =	ssettag s2;
	_ =	strace s9  }
0x27: {  	s1 =	sld [smem:$0x3FA0]  }
0x28: {  	s2 =	sld [smem:$0x3FA1]  }
0x29: {  	s4 =	sld [smem:$0x3FA3]  }
0x2a: {  	p0 =	seq.s32 s5, $0x0;
	s5 =	sld [smem:$0x3FA4]  }
0x2b: {  	s6 =	sld [smem:$0x3FA5]  }
0x2c: {  	s7 =	sld [smem:$0x3FA6]  }
0x2d: {  	s3 =	simm.s32 $0x108;
	s8 =	sld [smem:$0x3FA7]  }
0x2e: {  	s3 =	simm.s32 @!p0 $0x1082;
	s9 =	sld [smem:$0x3FA8]  }
0x2f: {  	lr =	sadd.s32 s0, s3;
	s0 =	sld [smem:$0x3F9F]  }
0x30: {  	s3 =	sld [smem:$0x3FA2]  }
0x31: {  	[smem:$0x3FAB] =	sst s10  }
0x32: {  	s10 =	sld [smem:$0x3FA9];
	_ =	sdelay $0x3  }
0x33: {  	p0 =	seq.s32 s10, $0x1;
	s10 =	sld [smem:$0x3FAB];
	_ =	sdelay $0x3  }
0x34: {  	[smem:$0x3FAB] =	sst s10  }
0x35: {  	s10 =	sld [smem:$0x3FAA];
	_ =	sdelay $0x3  }
0x36: {  	p1 =	seq.s32 s10, $0x1;
	s10 =	sld [smem:$0x3FAB];
	_ =	sdelay $0x3  }
0x37: {  	[smem:$0x3FAB] =	sst s10  }
0x38: {  	s10 =	sld [smem:$0x3FAC]  }
0x39: {  	_ = 	snop;
	(pc) =	sbr.ind lr, $3  }
0x3a: {  	_ = 	snop  }
0x3b: {  	_ = 	snop  }
0x3c: {  	p2 =	seq.s32 s10, $0x1;
	s10 =	sld [smem:$0x3FAB]  }
0x3d: {  	_ =	shalt  }
0x3e: {  	_ =	shalt  }
0x3f: {  	_ =	shalt  }
0x40: {  	_ =	shalt  }
0x41: {  	_ =	shalt  }
0x42: {  	_ =	shalt  }
0x43: {  	_ =	shalt  }
0x44: {  	_ =	shalt  }
0x45: {  	_ =	shalt  }
0x46: {  	_ =	shalt  }
0x47: {  	_ =	shalt  }
0x48: {  	_ =	shalt  }
0x49: {  	_ =	shalt  }
0x4a: {  	_ =	shalt  }
0x4b: {  	_ =	shalt  }
0x4c: {  	_ =	shalt  }
0x4d: {  	_ =	shalt  }
0x4e: {  	_ =	shalt  }
0x4f: {  	_ =	shalt  }
0x50: {  	_ =	shalt  }
0x51: {  	_ =	shalt  }
0x52: {  	_ =	shalt  }
0x53: {  	_ =	shalt  }
0x54: {  	_ =	shalt  }
0x55: {  	_ =	shalt  }
0x56: {  	_ =	shalt  }
0x57: {  	_ =	shalt  }
0x58: {  	_ =	shalt  }
0x59: {  	_ =	shalt  }
0x5a: {  	_ =	shalt  }
0x5b: {  	_ =	shalt  }
0x5c: {  	_ =	shalt  }
0x5d: {  	_ =	shalt  }
0x5e: {  	_ =	shalt  }
0x5f: {  	_ =	shalt  }
0x60: {  	_ =	shalt  }
0x61: {  	_ =	shalt  }
0x62: {  	_ =	shalt  }
0x63: {  	_ =	shalt  }
0x64: {  	_ =	shalt  }
0x65: {  	_ =	shalt  }
0x66: {  	_ =	shalt  }
0x67: {  	_ =	shalt  }
0x68: {  	_ =	shalt  }
0x69: {  	_ =	shalt  }
0x6a: {  	_ =	shalt  }
0x6b: {  	_ =	shalt  }
0x6c: {  	_ =	shalt  }
0x6d: {  	_ =	shalt  }
0x6e: {  	_ =	shalt  }
0x6f: {  	_ =	shalt  }
0x70: {  	_ =	shalt  }
0x71: {  	_ =	shalt  }
0x72: {  	_ =	shalt  }
0x73: {  	_ =	shalt  }
0x74: {  	_ =	shalt  }
0x75: {  	_ =	shalt  }
0x76: {  	_ =	shalt  }
0x77: {  	_ =	shalt  }
0x78: {  	_ =	shalt  }
0x79: {  	_ =	shalt  }
0x7a: {  	_ =	shalt  }
0x7b: {  	_ =	shalt  }
0x7c: {  	_ =	shalt  }
0x7d: {  	_ =	shalt  }
0x7e: {  	_ =	shalt  }
0x7f: {  	_ =	shalt  }
0x80: {  	_ =	shalt  }
0x81: {  	_ =	shalt  }
0x82: {  	_ =	shalt  }
0x83: {  	_ =	shalt  }
0x84: {  	_ =	shalt  }
0x85: {  	_ =	shalt  }
0x86: {  	_ =	shalt  }
0x87: {  	_ =	shalt  }
.Lfunc_end0:
.L_simem_size_0:
called_computation_lowered:
.L_overlay_start_0:
0x88: {  	s2 =	sld [smem:$0x3FD9]  }
0x89: {  	s3 =	sld [smem:$0x3FFE];
	_ =	sdelay $0x1  }
0x8a: {  	s1 =	srdreg.scid  }
0x8b: {  	s0 =	sand.u32 $0x1, s1  }
0x8c: {  	s14 =	sshll.u32 s0, $0xA;
	s2 =	sadd.s32 s3, s2  }
0x8d: {  	s2 =	sadd.s32 s2, s14  }
0x8e: {  	[smem:$0x3FB7] =	sst s2  }
0x8f: {  	_ = 	snop  }
0x90: {  	s2 =	sld [smem:$0x3FD0];
	_ =	sdelay $0x2  }
0x91: {  	s15 =	simm.s32 $0xA;
	s4 =	simm.s32 $0x10  }
0x92: {  	[smem:s4], [sflag:s15] =	dma.local [hbm:s2], $0x1  }
0x93: {  	_ =	swait.eq [sflag:s15], $0x1  }
0x94: {  	[sflag:s15] =	ssyncset.done $0x0  }
0x95: {  	[sflag:s15] =	ssyncadd.s32 $0xFFFFFFFF  }
0x96: {  	s16 =	sld [smem:$0x10];
	(tm) =	ssettm $0x1  }
0x97: {  	s17 =	sld [smem:$0x3FFB];
	_ =	sdelay $0x3  }
0x98: {  	_ =	strace s17  }
0x99: {  	s3 =	sld [smem:$0x3FFC];
	_ =	sdelay $0x3  }
0x9a: {  	_ =	strace s3  }
0x9b: {  	s3 =	sld [smem:$0x3FFD];
	_ =	sdelay $0x3  }
0x9c: {  	_ =	strace s3  }
0x9d: {  	_ =	strace $0x8FFFFFFF  }
0x9e: {  	s18 =	sld [smem:$0x3FDB];
	_ =	sdelay $0x1  }
0x9f: {  	s19 =	simm.s32 $_scs_section_size  }
0xa0: {  	s5 =	simm.s32 $_size__tile_overlayer_lowered;
	s6 =	simm.s32 $_tile_overlayer_lowered  }
0xa1: {  	s22 =	simm.s32 $0x1BFF;
	s21 =	sshll.u32 s6, $0x1;
	s3 =	sadd.s32 s19, s18  }
0xa2: {  	s7 =	simm.s32 $0x0;
	s20 =	sshll.u32 s5, $0x1;
	s5 =	sadd.s32 s21, s3  }
0xa3: {  	[timem:s7], [sflag:s22] =	dma.local [hbm:s5], s20  }
0xa4: {  	_ =	swait.ge [sflag:s22], s20  }
0xa5: {  	s4 =	ssub.s32 $0x0, s20;
	[sflag:s22] =	ssyncset.done $0x0  }
0xa6: {  	[sflag:s22] =	ssyncadd.s32 s4;
	_ =	sdelay $0x1  }
0xa7: {  	s23 =	simm.s32 $0x1B8B  }
0xa8: {  	_ =	swait.ge [sflag:s23], $0x1  }
0xa9: {  	[sflag:s23] =	ssyncset.done $0x0  }
0xaa: {  	s25 =	simm.s32 $0x1B8E;
	s24 =	sld [smem:$0x3FFE];
	[sflag:s23] =	ssyncadd.s32 $0xFFFFFFFF  }
0xab: {  	s26 =	simm.s32 $execute0_lowered;
	[smem:$0x3FD2] =	sst s25  }
0xac: {  	s5 =	sshll.u32 s26, $0x1;
	_ =	strace $0x80000046;
	[dreg:$0x1] =	wrdreg $0xFFFFFFFF  }
0xad: {  	s28 =	simm.s32 $_size_execute0_lowered;
	s3 =	sadd.s32 s3, s5;
	[dreg:$0x0] =	wrdreg $0x0  }
0xae: {  	s5 =	sshll.u32 s28, $0x1;
	[dreg:$0x2] =	wrdreg s3  }
0xaf: {  	[dreg:$0x3] =	wrdreg s5  }
0xb0: {  	[dreg:$0x4] =	wrdreg $0xC0  }
0xb1: {  	_ =	task [dreg:s7], $0x5FFFF  }
0xb2: {  	[dreg:$0x1] =	wrdreg $0xFFFFFFFF  }
0xb3: {  	[dreg:$0x0] =	wrdreg $0x60  }
0xb4: {  	[dreg:$0x2] =	wrdreg s24  }
0xb5: {  	[dreg:$0x3] =	wrdreg s16  }
0xb6: {  	[dreg:$0x4] =	wrdreg $0x9  }
0xb7: {  	_ =	task.clear_ibuf [dreg:s7], $0x5FFFF;
	_ =	strace $0x90000046  }
0xb8: {  	s29 =	simm.s32 $0x9;
	_ =	strace $0x80000048  }
0xb9: {  	_ =	swait.ge [sflag:s29], $0x1  }
0xba: {  	[sflag:s29] =	ssyncadd.s32 $0xFFFFFFFF  }
0xbb: {  	_ =	strace $0x90000048  }
0xbc: {  	_ =	sfence  }
0xbd: {  	s30 =	sld [smem:$0x0];
	_ =	sdelay $0x2  }
0xbe: {  	s31 =	sshll.u32 s1, $0xD;
	s1 =	sshrl.u32 s1, $0x2  }
0xbf: {  	s3 =	sand.u32 $0x4000, s31;
	s1 =	sadd.s32 s1, s30  }
0xc0: {  	s0 =	sor.u32 s3, s0;
	s1 =	sshll.u32 s1, $0x11  }
0xc1: {  	s0 =	sor.u32 s1, s0  }
0xc2: {  	s0 =	sadd.s32 $0x8F2B, s0  }
0xc3: {  	[sflag:s0] =	ssyncadd.remote.s32 $0x1  }
0xc4: {  	_ =	sfence.sel $0xFFFF  }
0xc5: {  	[dreg:$0x0] =	wrdreg $0xFFFFFFFF;
	(pc) =	sbr.abs _section_cstart, $3  }
0xc6: {  	[dreg:$0x1] =	wrdreg $0xFFFFFFFF  }
0xc7: {  	_ =	task.clear_ibuf [dreg:s7], $0x2FFFF;
	_ =	strace $0x9FFFFFFF  }
0xc8: {  	(tm) =	ssettm $0x7FFFFFFF  }
0xc9: {  	_ =	shalt  }
tec
execute0_lowered:
.L_overlay_start_1:
0x0: {  	(tag) =	ssettag $0x1  }
0x1: {  	s1 =	srdreg.scid;
	s0 =	stileid.u32  }
0x2: {  	s1 =	sand.u32 $0x1, s1;
	s2 =	sshll.u32 s0, $0x1  }
0x3: {  	s2 =	sor.u32 s1, s2  }
0x4: {  	s3 =	smul.u32 $0xA0, s2  }
0x5: {  	s4 =	rddreg [dreg:$0x0]  }
0x6: {  	s2 =	rddreg [dreg:$0x1];
	s5 =	sshrl.u32 s3, $0x3;
	s3 =	simm.s32 $0x0  }
0x7: {  	s12 =	simm.s32 $0x900;
	[smem:$0x7FF] =	sst s3  }
0x8: {  	s13 =	simm.s32 $0x1100;
	_ =	strace $0x80000047;
	[dreg:$0x6] =	wrdreg s12  }
0x9: {  	s14 =	simm.s32 $0x1900;
	[dreg:$0x7] =	wrdreg s13  }
0xa: {  	s15 =	simm.s32 $0x2100;
	[dreg:$0x8] =	wrdreg s14  }
0xb: {  	s16 =	simm.s32 $0x2900;
	[dreg:$0x9] =	wrdreg s15  }
0xc: {  	s17 =	simm.s32 $0x3100;
	[dreg:$0xa] =	wrdreg s16  }
0xd: {  	s18 =	simm.s32 $0x3900;
	[dreg:$0xb] =	wrdreg s17  }
0xe: {  	s19 =	simm.s32 $0x4100;
	[dreg:$0xc] =	wrdreg s18  }
0xf: {  	s20 =	simm.s32 $0x4900;
	[dreg:$0xd] =	wrdreg s19  }
0x10: {  	s21 =	simm.s32 $0x5100;
	[dreg:$0xe] =	wrdreg s20  }
0x11: {  	s22 =	simm.s32 $0x5900;
	[dreg:$0xf] =	wrdreg s21  }
0x12: {  	s23 =	simm.s32 $0x6100;
	[dreg:$0x10] =	wrdreg s22  }
0x13: {  	s24 =	simm.s32 $0x6900;
	[dreg:$0x11] =	wrdreg s23  }
0x14: {  	s25 =	simm.s32 $0x7100;
	[dreg:$0x12] =	wrdreg s24  }
0x15: {  	s26 =	simm.s32 $0x7900;
	[dreg:$0x13] =	wrdreg s25  }
0x16: {  	s0 =	simm.s32 $0x8100;
	[dreg:$0x14] =	wrdreg s26  }
0x17: {  	s7 =	simm.s32 $0x9900;
	[dreg:$0x15] =	wrdreg s0  }
0x18: {  	s8 =	simm.s32 $0xA100;
	[dreg:$0x18] =	wrdreg s7  }
0x19: {  	s9 =	simm.s32 $0xA900;
	s10 =	simm.s32 $0xB100;
	[dreg:$0x19] =	wrdreg s8  }
0x1a: {  	s6 =	smul.u32 $0x300, s5;
	s5 =	sadd.s32 s5, s4;
	[dreg:$0x1a] =	wrdreg s9  }
0x1b: {  	s5 =	sadd.s32 $0x200, s5;
	[dreg:$0x1b] =	wrdreg s10  }
0x1c: {  	s12 =	simm.s32 $0xC100;
	[dreg:$0x3] =	wrdreg s5  }
0x1d: {  	s13 =	simm.s32 $0xC900;
	[dreg:$0x1d] =	wrdreg s12  }
0x1e: {  	s14 =	simm.s32 $0xD100;
	[dreg:$0x1e] =	wrdreg s13  }
0x1f: {  	s28 =	simm.s32 $0x1C900;
	s15 =	simm.s32 $0xD900;
	[dreg:$0x1f] =	wrdreg s14  }
0x20: {  	s29 =	simm.s32 $0x1D100;
	s16 =	simm.s32 $0xE100;
	[smem:$0x7F2] =	sst s15  }
0x21: {  	s30 =	simm.s32 $0x1D900;
	s17 =	simm.s32 $0xE900;
	[smem:$0x7F3] =	sst s16  }
0x22: {  	s31 =	simm.s32 $0x1;
	s18 =	simm.s32 $0xF900;
	[smem:$0x7F4] =	sst s17  }
0x23: {  	s1 =	ssub.s32 $0x2, s1;
	s19 =	simm.s32 $0x10100;
	[smem:$0x7F5] =	sst s18  }
0x24: {  	s20 =	sshrl.u32 s1, $0x1;
	s21 =	simm.s32 $0x10900;
	[smem:$0x7F6] =	sst s19  }
0x25: {  	s22 =	simm.s32 $0x11100;
	s23 =	simm.s32 $0x11900;
	[smem:$0x7F7] =	sst s21  }
0x26: {  	s7 =	simm.s32 $0x12100;
	s24 =	simm.s32 $0x12900;
	[smem:$0x7F8] =	sst s22  }
0x27: {  	s25 =	simm.s32 $0x13100;
	s8 =	simm.s32 $0x100;
	[smem:$0x7F9] =	sst s23  }
0x28: {  	s26 =	simm.s32 $0x13900;
	s9 =	simm.s32 $0xF100;
	[smem:$0x7FA] =	sst s7  }
0x29: {  	s4 =	sadd.s32 s6, s4;
	s5 =	simm.s32 $0x8900;
	[smem:$0x7FB] =	sst s24  }
0x2a: {  	s6 =	simm.s32 $0x9100;
	s1 =	ssub.s32 s1, s20;
	[smem:$0x7FC] =	sst s25  }
0x2b: {  	s7 =	simm.s32 $0x3;
	[smem:$0x7FD] =	sst s26;
	s12 =	simm.s32 $0x15100  }
0x2c: {  	s13 =	simm.s32 $0x15900;
	s14 =	simm.s32 $0x16100;
	s15 =	simm.s32 $0x16900  }
0x2d: {  	s16 =	simm.s32 $0x17100;
	s17 =	simm.s32 $0x17900;
	s18 =	simm.s32 $0x18100  }
0x2e: {  	s19 =	simm.s32 $0x18900;
	s20 =	simm.s32 $0x19100;
	s21 =	simm.s32 $0x19900  }
0x2f: {  	s22 =	simm.s32 $0x1A100;
	s23 =	simm.s32 $0x1A900;
	s24 =	simm.s32 $0x1B100  }
0x30: {  	s25 =	simm.s32 $0x1B900;
	s26 =	simm.s32 $0x1C100;
	[dreg:$0x16] =	wrdreg s5  }
0x31: {  	s11 =	sadd.s32 $0x600, s4;
	s4 =	sadd.s32 $0x2400, s4;
	[dreg:$0x17] =	wrdreg s6  }
0x32: {  	v2 =	vlaneseq.u32;
	s5 =	sadd.s32 $0x200, s2;
	s6 =	smax.u32 s1, $0x1;
	[dreg:$0x4] =	wrdreg s11  }
0x33: {  	vm0 =	vmmov $0xffff;
	v1 =	vshrl.u32 v2, $0x3;
	s1 =	simm.s32 $0x2;
	[dreg:$0x5] =	wrdreg s4;
	s11 =	simm.s32 $0xB900  }
0x34: {  	v0 =	vand.u32 $0x7, v2;
	v2 =	vor.u32 $0x8, v2;
	v1 =	vmul.u32 $0x8, v1;
	s4 =	sadd.s32 $0x100, s2;
	[dreg:$0x1c] =	wrdreg s11;
	s11 =	simm.s32 $0x14900  }
.LBB2_1:
0x35: {  	s0 =	rddreg [dreg:$0x3]  }
0x36: {  	[tilespmem:s3], [sflag:$0x3] =	stream.linear.gather [hbm4b:s0+s3], $0xA0, $0x38;
	[tilespmem:$0x1E100] =	vst v63  }
0x37: {  	_ =	swait.ge [sflag:s7], $0xA0  }
0x38: {  	[sflag:s7] =	ssyncset.done $0x0  }
0x39: {  	[sflag:s7] =	ssyncadd.s32 $0xFFFFFF60  }
0x3a: {  	v3 =	vld [tilespmem:$0x0];
	_ =	sdelay $0x4  }
0x3b: {  	v4 =	vshrl.u32 v3, $0x3  }
0x3c: {  	v4 =	vmul.u32 $0x30, v4  }
0x3d: {  	v3 =	vand.u32 $0x7, v3  }
0x3e: {  	v3 =	vor.u32 v3, v4  }
0x3f: {  	v4 =	vperm.xlane v3, v0;
	_ =	sdelay $0x1  }
0x40: {  	v4 =	vadd.s32 v1, v4;
	_ =	sdelay $0x3  }
0x41: {  	v3 =	vperm.xlane v3, v2  }
0x42: {  	[tilespmem:s8], [sflag:$0x1] =	stream.indirect_vreg.gather [hbm4b:s2+s3], $0x80, v4, vm0, $0xb8;
	[tilespmem:$0x1E100] =	vst v63  }
0x43: {  	s0 =	rddreg [dreg:$0x6];
	v3 =	vadd.s32 v1, v3  }
0x44: {  	[tilespmem:s0], [sflag:$0x1] =	stream.indirect_vreg.gather [hbm4b:s4+s3], $0x80, v4, vm0, $0xb8;
	[tilespmem:$0x1E100] =	vst v63  }
0x45: {  	s10 =	rddreg [dreg:$0x7]  }
0x46: {  	[tilespmem:s10], [sflag:$0x1] =	stream.indirect_vreg.gather [hbm4b:s5+s3], $0x80, v4, vm0, $0xb8;
	[tilespmem:$0x1E100] =	vst v63  }
0x47: {  	s0 =	rddreg [dreg:$0x8]  }
0x48: {  	[tilespmem:s0], [sflag:$0x1] =	stream.indirect_vreg.gather [hbm4b:s2+s3], $0x80, v3, vm0, $0xb8;
	[tilespmem:$0x1E100] =	vst v63  }
0x49: {  	s10 =	rddreg [dreg:$0x9]  }
0x4a: {  	[tilespmem:s10], [sflag:$0x1] =	stream.indirect_vreg.gather [hbm4b:s4+s3], $0x80, v3, vm0, $0xb8;
	[tilespmem:$0x1E100] =	vst v63  }
0x4b: {  	s0 =	rddreg [dreg:$0xa]  }
0x4c: {  	[tilespmem:s0], [sflag:$0x1] =	stream.indirect_vreg.gather [hbm4b:s5+s3], $0x80, v3, vm0, $0xb8;
	[tilespmem:$0x1E100] =	vst v63  }
0x4d: {  	v3 =	vld [tilespmem:$0x10];
	_ =	sdelay $0x4  }
0x4e: {  	v55 =	vshrl.u32 v3, $0x3  }
0x4f: {  	v4 =	vmul.u32 $0x30, v55  }
0x50: {  	v3 =	vand.u32 $0x7, v3  }
0x51: {  	v3 =	vor.u32 v3, v4  }
0x52: {  	v4 =	vperm.xlane v3, v0;
	_ =	sdelay $0x1  }
0x53: {  	v4 =	vadd.s32 v1, v4;
	_ =	sdelay $0x3  }
0x54: {  	s0 =	rddreg [dreg:$0xb];
	v3 =	vperm.xlane v3, v2  }
0x55: {  	[tilespmem:s0], [sflag:$0x1] =	stream.indirect_vreg.gather [hbm4b:s2+s3], $0x80, v4, vm0, $0xb8;
	[tilespmem:$0x1E100] =	vst v63  }
0x56: {  	s10 =	rddreg [dreg:$0xc];
	v3 =	vadd.s32 v1, v3  }
0x57: {  	[tilespmem:s10], [sflag:$0x1] =	stream.indirect_vreg.gather [hbm4b:s4+s3], $0x80, v4, vm0, $0xb8;
	[tilespmem:$0x1E100] =	vst v63  }
0x58: {  	s0 =	rddreg [dreg:$0xd]  }
0x59: {  	[tilespmem:s0], [sflag:$0x1] =	stream.indirect_vreg.gather [hbm4b:s5+s3], $0x80, v4, vm0, $0xb8;
	[tilespmem:$0x1E100] =	vst v63  }
0x5a: {  	s10 =	rddreg [dreg:$0xe]  }
0x5b: {  	[tilespmem:s10], [sflag:$0x1] =	stream.indirect_vreg.gather [hbm4b:s2+s3], $0x80, v3, vm0, $0xb8;
	[tilespmem:$0x1E100] =	vst v63  }
0x5c: {  	s0 =	rddreg [dreg:$0xf]  }
0x5d: {  	[tilespmem:s0], [sflag:$0x1] =	stream.indirect_vreg.gather [hbm4b:s4+s3], $0x80, v3, vm0, $0xb8;
	[tilespmem:$0x1E100] =	vst v63  }
0x5e: {  	s10 =	rddreg [dreg:$0x10]  }
0x5f: {  	[tilespmem:s10], [sflag:$0x1] =	stream.indirect_vreg.gather [hbm4b:s5+s3], $0x80, v3, vm0, $0xb8;
	[tilespmem:$0x1E100] =	vst v63  }
0x60: {  	v3 =	vld [tilespmem:$0x20];
	_ =	sdelay $0x4  }
0x61: {  	v56 =	vshrl.u32 v3, $0x3  }
0x62: {  	v4 =	vmul.u32 $0x30, v56  }
0x63: {  	v3 =	vand.u32 $0x7, v3  }
0x64: {  	v3 =	vor.u32 v3, v4  }
0x65: {  	v4 =	vperm.xlane v3, v0;
	_ =	sdelay $0x1  }
0x66: {  	v4 =	vadd.s32 v1, v4;
	_ =	sdelay $0x3  }
0x67: {  	s0 =	rddreg [dreg:$0x11];
	v3 =	vperm.xlane v3, v2  }
0x68: {  	[tilespmem:s0], [sflag:$0x1] =	stream.indirect_vreg.gather [hbm4b:s2+s3], $0x80, v4, vm0, $0xb8;
	[tilespmem:$0x1E100] =	vst v63  }
0x69: {  	s10 =	rddreg [dreg:$0x12];
	v3 =	vadd.s32 v1, v3  }
0x6a: {  	[tilespmem:s10], [sflag:$0x1] =	stream.indirect_vreg.gather [hbm4b:s4+s3], $0x80, v4, vm0, $0xb8;
	[tilespmem:$0x1E100] =	vst v63  }
0x6b: {  	s0 =	rddreg [dreg:$0x13]  }
0x6c: {  	[tilespmem:s0], [sflag:$0x1] =	stream.indirect_vreg.gather [hbm4b:s5+s3], $0x80, v4, vm0, $0xb8;
	[tilespmem:$0x1E100] =	vst v63  }
0x6d: {  	s10 =	rddreg [dreg:$0x14]  }
0x6e: {  	[tilespmem:s10], [sflag:$0x1] =	stream.indirect_vreg.gather [hbm4b:s2+s3], $0x80, v3, vm0, $0xb8;
	[tilespmem:$0x1E100] =	vst v63  }
0x6f: {  	s0 =	rddreg [dreg:$0x15]  }
0x70: {  	[tilespmem:s0], [sflag:$0x1] =	stream.indirect_vreg.gather [hbm4b:s4+s3], $0x80, v3, vm0, $0xb8;
	[tilespmem:$0x1E100] =	vst v63  }
0x71: {  	s10 =	rddreg [dreg:$0x16]  }
0x72: {  	[tilespmem:s10], [sflag:$0x1] =	stream.indirect_vreg.gather [hbm4b:s5+s3], $0x80, v3, vm0, $0xb8;
	[tilespmem:$0x1E100] =	vst v63  }
0x73: {  	v3 =	vld [tilespmem:$0x30];
	_ =	sdelay $0x4  }
0x74: {  	v57 =	vshrl.u32 v3, $0x3  }
0x75: {  	v4 =	vmul.u32 $0x30, v57  }
0x76: {  	v3 =	vand.u32 $0x7, v3  }
0x77: {  	v3 =	vor.u32 v3, v4  }
0x78: {  	v4 =	vperm.xlane v3, v0;
	_ =	sdelay $0x1  }
0x79: {  	v4 =	vadd.s32 v1, v4;
	_ =	sdelay $0x3  }
0x7a: {  	s0 =	rddreg [dreg:$0x17];
	v3 =	vperm.xlane v3, v2  }
0x7b: {  	[tilespmem:s0], [sflag:$0x1] =	stream.indirect_vreg.gather [hbm4b:s2+s3], $0x80, v4, vm0, $0xb8;
	[tilespmem:$0x1E100] =	vst v63  }
0x7c: {  	s10 =	rddreg [dreg:$0x18];
	v3 =	vadd.s32 v1, v3  }
0x7d: {  	[tilespmem:s10], [sflag:$0x1] =	stream.indirect_vreg.gather [hbm4b:s4+s3], $0x80, v4, vm0, $0xb8;
	[tilespmem:$0x1E100] =	vst v63  }
0x7e: {  	s0 =	rddreg [dreg:$0x19]  }
0x7f: {  	[tilespmem:s0], [sflag:$0x1] =	stream.indirect_vreg.gather [hbm4b:s5+s3], $0x80, v4, vm0, $0xb8;
	[tilespmem:$0x1E100] =	vst v63  }
0x80: {  	s10 =	rddreg [dreg:$0x1a]  }
0x81: {  	[tilespmem:s10], [sflag:$0x1] =	stream.indirect_vreg.gather [hbm4b:s2+s3], $0x80, v3, vm0, $0xb8;
	[tilespmem:$0x1E100] =	vst v63  }
0x82: {  	s0 =	rddreg [dreg:$0x1b]  }
0x83: {  	[tilespmem:s0], [sflag:$0x1] =	stream.indirect_vreg.gather [hbm4b:s4+s3], $0x80, v3, vm0, $0xb8;
	[tilespmem:$0x1E100] =	vst v63  }
0x84: {  	s10 =	rddreg [dreg:$0x1c]  }
0x85: {  	[tilespmem:s10], [sflag:$0x1] =	stream.indirect_vreg.gather [hbm4b:s5+s3], $0x80, v3, vm0, $0xb8;
	[tilespmem:$0x1E100] =	vst v63  }
0x86: {  	v3 =	vld [tilespmem:$0x40];
	_ =	sdelay $0x4  }
0x87: {  	v58 =	vshrl.u32 v3, $0x3  }
0x88: {  	v4 =	vmul.u32 $0x30, v58  }
0x89: {  	v3 =	vand.u32 $0x7, v3  }
0x8a: {  	v3 =	vor.u32 v3, v4  }
0x8b: {  	v4 =	vperm.xlane v3, v0;
	_ =	sdelay $0x1  }
0x8c: {  	v4 =	vadd.s32 v1, v4;
	_ =	sdelay $0x2  }
0x8d: {  	s0 =	rddreg [dreg:$0x1d]  }
0x8e: {  	s10 =	rddreg [dreg:$0x1e];
	v3 =	vperm.xlane v3, v2  }
0x8f: {  	[tilespmem:s0], [sflag:$0x1] =	stream.indirect_vreg.gather [hbm4b:s2+s3], $0x80, v4, vm0, $0xb8;
	[tilespmem:$0x1E100] =	vst v63  }
0x90: {  	v3 =	vadd.s32 v1, v3;
	s0 =	rddreg [dreg:$0x1f]  }
0x91: {  	[tilespmem:s10], [sflag:$0x1] =	stream.indirect_vreg.gather [hbm4b:s4+s3], $0x80, v4, vm0, $0xb8;
	[tilespmem:$0x1E100] =	vst v63  }
0x92: {  	s10 =	sld [smem:$0x7F2]  }
0x93: {  	[tilespmem:s0], [sflag:$0x1] =	stream.indirect_vreg.gather [hbm4b:s5+s3], $0x80, v4, vm0, $0xb8;
	[tilespmem:$0x1E100] =	vst v63  }
0x94: {  	s0 =	sld [smem:$0x7F3]  }
0x95: {  	[tilespmem:s10], [sflag:$0x1] =	stream.indirect_vreg.gather [hbm4b:s2+s3], $0x80, v3, vm0, $0xb8;
	[tilespmem:$0x1E100] =	vst v63  }
0x96: {  	s10 =	sld [smem:$0x7F4]  }
0x97: {  	[tilespmem:s0], [sflag:$0x1] =	stream.indirect_vreg.gather [hbm4b:s4+s3], $0x80, v3, vm0, $0xb8;
	[tilespmem:$0x1E100] =	vst v63  }
0x98: {  	_ = 	snop  }
0x99: {  	[tilespmem:s10], [sflag:$0x1] =	stream.indirect_vreg.gather [hbm4b:s5+s3], $0x80, v3, vm0, $0xb8;
	[tilespmem:$0x1E100] =	vst v63  }
0x9a: {  	v3 =	vld [tilespmem:$0x50];
	_ =	sdelay $0x4  }
0x9b: {  	v59 =	vshrl.u32 v3, $0x3  }
0x9c: {  	v4 =	vmul.u32 $0x30, v59  }
0x9d: {  	v3 =	vand.u32 $0x7, v3  }
0x9e: {  	v3 =	vor.u32 v3, v4  }
0x9f: {  	v4 =	vperm.xlane v3, v0;
	_ =	sdelay $0x1  }
0xa0: {  	v4 =	vadd.s32 v1, v4;
	_ =	sdelay $0x3  }
0xa1: {  	s0 =	sld [smem:$0x7F5];
	v3 =	vperm.xlane v3, v2  }
0xa2: {  	[tilespmem:s9], [sflag:$0x2] =	stream.indirect_vreg.gather [hbm4b:s2+s3], $0x80, v4, vm0, $0xb8;
	[tilespmem:$0x1E100] =	vst v63  }
0xa3: {  	s10 =	sld [smem:$0x7F6];
	v3 =	vadd.s32 v1, v3  }
0xa4: {  	[tilespmem:s0], [sflag:$0x2] =	stream.indirect_vreg.gather [hbm4b:s4+s3], $0x80, v4, vm0, $0xb8;
	[tilespmem:$0x1E100] =	vst v63  }
0xa5: {  	s0 =	sld [smem:$0x7F7]  }
0xa6: {  	[tilespmem:s10], [sflag:$0x2] =	stream.indirect_vreg.gather [hbm4b:s5+s3], $0x80, v4, vm0, $0xb8;
	[tilespmem:$0x1E100] =	vst v63  }
0xa7: {  	s10 =	sld [smem:$0x7F8]  }
0xa8: {  	[tilespmem:s0], [sflag:$0x2] =	stream.indirect_vreg.gather [hbm4b:s2+s3], $0x80, v3, vm0, $0xb8;
	[tilespmem:$0x1E100] =	vst v63  }
0xa9: {  	s0 =	sld [smem:$0x7F9]  }
0xaa: {  	[tilespmem:s10], [sflag:$0x2] =	stream.indirect_vreg.gather [hbm4b:s4+s3], $0x80, v3, vm0, $0xb8;
	[tilespmem:$0x1E100] =	vst v63  }
0xab: {  	_ = 	snop  }
0xac: {  	[tilespmem:s0], [sflag:$0x2] =	stream.indirect_vreg.gather [hbm4b:s5+s3], $0x80, v3, vm0, $0xb8;
	[tilespmem:$0x1E100] =	vst v63  }
0xad: {  	v3 =	vld [tilespmem:$0x60];
	_ =	sdelay $0x4  }
0xae: {  	v60 =	vshrl.u32 v3, $0x3  }
0xaf: {  	v4 =	vmul.u32 $0x30, v60  }
0xb0: {  	v3 =	vand.u32 $0x7, v3  }
0xb1: {  	v3 =	vor.u32 v3, v4  }
0xb2: {  	v4 =	vperm.xlane v3, v0;
	_ =	sdelay $0x1  }
0xb3: {  	v4 =	vadd.s32 v1, v4;
	_ =	sdelay $0x1  }
0xb4: {  	s0 =	sld [smem:$0x7FA];
	_ =	sdelay $0x1  }
0xb5: {  	s10 =	sld [smem:$0x7FB];
	v3 =	vperm.xlane v3, v2  }
0xb6: {  	[tilespmem:s0], [sflag:$0x2] =	stream.indirect_vreg.gather [hbm4b:s2+s3], $0x80, v4, vm0, $0xb8;
	[tilespmem:$0x1E100] =	vst v63  }
0xb7: {  	v3 =	vadd.s32 v1, v3;
	s0 =	sld [smem:$0x7FC]  }
0xb8: {  	[tilespmem:s10], [sflag:$0x2] =	stream.indirect_vreg.gather [hbm4b:s4+s3], $0x80, v4, vm0, $0xb8;
	[tilespmem:$0x1E100] =	vst v63  }
0xb9: {  	s10 =	sld [smem:$0x7FD]  }
0xba: {  	[tilespmem:s0], [sflag:$0x2] =	stream.indirect_vreg.gather [hbm4b:s5+s3], $0x80, v4, vm0, $0xb8;
	[tilespmem:$0x1E100] =	vst v63  }
0xbb: {  	_ = 	snop  }
0xbc: {  	[tilespmem:s10], [sflag:$0x2] =	stream.indirect_vreg.gather [hbm4b:s2+s3], $0x80, v3, vm0, $0xb8;
	[tilespmem:$0x1E100] =	vst v63  }
0xbd: {  	s10 =	simm.s32 $0x14100  }
0xbe: {  	[tilespmem:s10], [sflag:$0x2] =	stream.indirect_vreg.gather [hbm4b:s4+s3], $0x80, v3, vm0, $0xb8;
	[tilespmem:$0x1E100] =	vst v63  }
0xbf: {  	_ = 	snop  }
0xc0: {  	[tilespmem:s11], [sflag:$0x2] =	stream.indirect_vreg.gather [hbm4b:s5+s3], $0x80, v3, vm0, $0xb8;
	[tilespmem:$0x1E100] =	vst v63  }
0xc1: {  	v3 =	vld [tilespmem:$0x70];
	_ =	sdelay $0x4  }
0xc2: {  	v61 =	vshrl.u32 v3, $0x3  }
0xc3: {  	v4 =	vmul.u32 $0x30, v61  }
0xc4: {  	v3 =	vand.u32 $0x7, v3  }
0xc5: {  	v3 =	vor.u32 v3, v4  }
0xc6: {  	v4 =	vperm.xlane v3, v0;
	_ =	sdelay $0x1  }
0xc7: {  	v4 =	vadd.s32 v1, v4;
	_ =	sdelay $0x3  }
0xc8: {  	v3 =	vperm.xlane v3, v2  }
0xc9: {  	[tilespmem:s12], [sflag:$0x2] =	stream.indirect_vreg.gather [hbm4b:s2+s3], $0x80, v4, vm0, $0xb8;
	[tilespmem:$0x1E100] =	vst v63  }
0xca: {  	v3 =	vadd.s32 v1, v3  }
0xcb: {  	[tilespmem:s13], [sflag:$0x2] =	stream.indirect_vreg.gather [hbm4b:s4+s3], $0x80, v4, vm0, $0xb8;
	[tilespmem:$0x1E100] =	vst v63  }
0xcc: {  	_ = 	snop  }
0xcd: {  	[tilespmem:s14], [sflag:$0x2] =	stream.indirect_vreg.gather [hbm4b:s5+s3], $0x80, v4, vm0, $0xb8;
	[tilespmem:$0x1E100] =	vst v63  }
0xce: {  	_ = 	snop  }
0xcf: {  	[tilespmem:s15], [sflag:$0x2] =	stream.indirect_vreg.gather [hbm4b:s2+s3], $0x80, v3, vm0, $0xb8;
	[tilespmem:$0x1E100] =	vst v63  }
0xd0: {  	_ = 	snop  }
0xd1: {  	[tilespmem:s16], [sflag:$0x2] =	stream.indirect_vreg.gather [hbm4b:s4+s3], $0x80, v3, vm0, $0xb8;
	[tilespmem:$0x1E100] =	vst v63  }
0xd2: {  	_ = 	snop  }
0xd3: {  	[tilespmem:s17], [sflag:$0x2] =	stream.indirect_vreg.gather [hbm4b:s5+s3], $0x80, v3, vm0, $0xb8;
	[tilespmem:$0x1E100] =	vst v63  }
0xd4: {  	v3 =	vld [tilespmem:$0x80];
	_ =	sdelay $0x4  }
0xd5: {  	v62 =	vshrl.u32 v3, $0x3  }
0xd6: {  	v4 =	vmul.u32 $0x30, v62  }
0xd7: {  	v3 =	vand.u32 $0x7, v3  }
0xd8: {  	v3 =	vor.u32 v3, v4  }
0xd9: {  	v4 =	vperm.xlane v3, v0;
	_ =	sdelay $0x1  }
0xda: {  	v4 =	vadd.s32 v1, v4;
	_ =	sdelay $0x3  }
0xdb: {  	v3 =	vperm.xlane v3, v2  }
0xdc: {  	[tilespmem:s18], [sflag:$0x2] =	stream.indirect_vreg.gather [hbm4b:s2+s3], $0x80, v4, vm0, $0xb8;
	[tilespmem:$0x1E100] =	vst v63  }
0xdd: {  	v3 =	vadd.s32 v1, v3  }
0xde: {  	[tilespmem:s19], [sflag:$0x2] =	stream.indirect_vreg.gather [hbm4b:s4+s3], $0x80, v4, vm0, $0xb8;
	[tilespmem:$0x1E100] =	vst v63  }
0xdf: {  	_ = 	snop  }
0xe0: {  	[tilespmem:s20], [sflag:$0x2] =	stream.indirect_vreg.gather [hbm4b:s5+s3], $0x80, v4, vm0, $0xb8;
	[tilespmem:$0x1E100] =	vst v63  }
0xe1: {  	_ = 	snop  }
0xe2: {  	[tilespmem:s21], [sflag:$0x2] =	stream.indirect_vreg.gather [hbm4b:s2+s3], $0x80, v3, vm0, $0xb8;
	[tilespmem:$0x1E100] =	vst v63  }
0xe3: {  	_ = 	snop  }
0xe4: {  	[tilespmem:s22], [sflag:$0x2] =	stream.indirect_vreg.gather [hbm4b:s4+s3], $0x80, v3, vm0, $0xb8;
	[tilespmem:$0x1E100] =	vst v63  }
0xe5: {  	_ = 	snop  }
0xe6: {  	[tilespmem:s23], [sflag:$0x2] =	stream.indirect_vreg.gather [hbm4b:s5+s3], $0x80, v3, vm0, $0xb8;
	[tilespmem:$0x1E100] =	vst v63  }
0xe7: {  	v3 =	vld [tilespmem:$0x90];
	_ =	sdelay $0x4  }
0xe8: {  	v63 =	vshrl.u32 v3, $0x3  }
0xe9: {  	v4 =	vmul.u32 $0x30, v63  }
0xea: {  	v3 =	vand.u32 $0x7, v3  }
0xeb: {  	v3 =	vor.u32 v3, v4  }
0xec: {  	v4 =	vperm.xlane v3, v0;
	_ =	sdelay $0x1  }
0xed: {  	v4 =	vadd.s32 v1, v4;
	_ =	sdelay $0x3  }
0xee: {  	v3 =	vperm.xlane v3, v2  }
0xef: {  	[tilespmem:s24], [sflag:$0x2] =	stream.indirect_vreg.gather [hbm4b:s2+s3], $0x80, v4, vm0, $0xb8;
	[tilespmem:$0x1E100] =	vst v63  }
0xf0: {  	v3 =	vadd.s32 v1, v3  }
0xf1: {  	[tilespmem:s25], [sflag:$0x2] =	stream.indirect_vreg.gather [hbm4b:s4+s3], $0x80, v4, vm0, $0xb8;
	[tilespmem:$0x1E100] =	vst v63  }
0xf2: {  	_ = 	snop  }
0xf3: {  	[tilespmem:s26], [sflag:$0x2] =	stream.indirect_vreg.gather [hbm4b:s5+s3], $0x80, v4, vm0, $0xb8;
	[tilespmem:$0x1E100] =	vst v63  }
0xf4: {  	_ = 	snop  }
0xf5: {  	[tilespmem:s28], [sflag:$0x2] =	stream.indirect_vreg.gather [hbm4b:s2+s3], $0x80, v3, vm0, $0xb8;
	[tilespmem:$0x1E100] =	vst v63  }
0xf6: {  	_ = 	snop  }
0xf7: {  	[tilespmem:s29], [sflag:$0x2] =	stream.indirect_vreg.gather [hbm4b:s4+s3], $0x80, v3, vm0, $0xb8;
	[tilespmem:$0x1E100] =	vst v63  }
0xf8: {  	_ = 	snop  }
0xf9: {  	[tilespmem:s30], [sflag:$0x2] =	stream.indirect_vreg.gather [hbm4b:s5+s3], $0x80, v3, vm0, $0xb8;
	[tilespmem:$0x1E100] =	vst v63  }
0xfa: {  	_ =	swait.ge [sflag:s31], $0xF000  }
0xfb: {  	[sflag:s31] =	ssyncset.done $0x0  }
0xfc: {  	s10 =	rddreg [dreg:$0x4];
	[sflag:s31] =	ssyncadd.s32 $0xFFFF1000  }
0xfd: {  	[hbm4b:s10+s3] =	stream.linear.scatter [tilespmem:s8], [sflag:$0x1], $0xF000, $0x38;
	[tilespmem:$0x1E100] =	vst v63  }
0xfe: {  	_ =	swait.ge [sflag:s1], $0xF000  }
0xff: {  	[sflag:s1] =	ssyncset.done $0x0  }
0x100: {  	s10 =	rddreg [dreg:$0x5];
	[sflag:s1] =	ssyncadd.s32 $0xFFFF1000  }
0x101: {  	[hbm4b:s10+s3] =	stream.linear.scatter [tilespmem:s9], [sflag:$0x2], $0xF000, $0x38;
	[tilespmem:$0x1E100] =	vst v63  }
0x102: {  	p0 =	sne.s32 s6, $0x1;
	_ =	swait.ge [sflag:s31], $0xF000  }
.Ltmp0:
0x103: {  	[sflag:s31] =	ssyncset.done $0x0;
	(pc) =	sbr.rel @p0 .LBB2_1-.Ltmp0, $4  }
0x104: {  	[sflag:s31] =	ssyncadd.s32 $0xFFFF1000  }
0x105: {  	_ =	swait.ge [sflag:s1], $0xF000  }
0x106: {  	[sflag:s1] =	ssyncset.done $0x0  }
0x107: {  	s6 =	sadd.s32 $0xFFFFFFFF, s6;
	[sflag:s1] =	ssyncadd.s32 $0xFFFF1000  }
0x108: {  	_ =	sfence.sel $0x180000  }
0x109: {  	[bflag:$0x0] =	sbarrier.arrive $0xFFFF  }
0x10a: {  	_ =	strace $0x90000047  }
0x10b: {  	s0 =	stileid.u32;
	[bflag:$0x2] =	sbarrier.arrive $0xFFFF  }
0x10c: {  	p0 =	sne.s32 s0, $0x0;
	s0 =	rddreg [dreg:$0x2]  }
0x10d: {  	s0 =	sadd.s32 @!p0 $0x100000, s0  }
0x10e: {  	[sflag:s0] =	ssyncadd.tile.s32 @!p0 $0x1;
	_ =	shalt  }
.Lfunc_end2:
_tile_overlayer_lowered:
.L_overlay_start_2:
0x10f: {  	(tag) =	ssettag $0x2  }
0x110: {  	s0 =	rddreg [dreg:$0x0];
	s2 =	stileid.u32  }
0x111: {  	s1 =	rddreg [dreg:$0x1];
	p0 =	sne.s32 s2, $0x0  }
0x112: {  	s3 =	rddreg [dreg:$0x2];
	[bflag:$0x3] =	sbarrier.arrive $0xFFFF;
	s2 =	simm.s32 @!p0 $0x1C03  }
0x113: {  	[timem:s3], [sflag:s2] =	dma.local @!p0 [hbm:s0], s1  }
0x114: {  	s0 =	simm.s32 @!p0 $0x3  }
0x115: {  	_ =	swait.ge @!p0 [sflag:s0], s1  }
0x116: {  	s1 =	ssub.s32 @!p0 $0x0, s1;
	[sflag:s0] =	ssyncset.done @!p0 $0x0  }
0x117: {  	[sflag:s0] =	ssyncadd.s32 @!p0 s1  }
0x118: {  	[bflag:$0x3] =	sbarrier.arrive $0xFFFF  }
0x119: {  	_ =	shalt  }

</sc_bundles>
